<compile_context>
chip_gen: v7x
topology: tpu7x:2x2x1
jax: 0.10.2.dev20260603
libtpu: 0.0.44.dev20260713+nightly
codegen_flags: <defaults>
</compile_context>

<pallas_src>
import functools

import jax
import jax.numpy as jnp
from jax import lax
from jax.experimental import pallas as pl
from jax.experimental.pallas import tpu as pltpu
from jax.experimental.pallas import tpu_sc as plsc

_BETA = 1.0
_L = 16
_NPASS = 6
_NB = 64

_GD = lax.GatherDimensionNumbers(
    offset_dims=(), collapsed_slice_dims=(0,), start_index_map=(0,))


def _lane():
    return lax.iota(jnp.int32, _L)


def _vgather(x, idx):
    return lax.gather(x, idx[:, None], _GD, slice_sizes=(1,),
                      mode=lax.GatherScatterMode.PROMISE_IN_BOUNDS)


def _last(x):
    return _vgather(x, jnp.full((_L,), 15, jnp.int32))


def _splat(x, dtype=None):
    v = jnp.full((_L,), x)
    return v if dtype is None else v.astype(dtype)


def _sget(ref, i):
    return jnp.max(plsc.load_gather(ref, [_splat(i, jnp.int32)]), axis=0)


def _sput(ref, i, val):
    plsc.store_scatter(ref, [_splat(i, jnp.int32)], _splat(val),
                       mask=_lane() == 0)


def _sdiv(a, b):
    return jnp.max(_splat(a) / _splat(b), axis=0)


def _oscarmax_body(n, x_hbm, out_hbm, xrow, ak, av, bk, bv,
                   hist, sarr, sp, starts, pid, sgarr, zarr, tneg, psum,
                   pcnt, pval, pnb, pstart, yarr, outrow):
    nv = n // _L
    row = lax.axis_index("s") * 2 + lax.axis_index("c")

    @pl.when(row < x_hbm.shape[0])
    def _():
        pltpu.sync_copy(x_hbm.at[row], xrow)

        u = jnp.full((_L,), jnp.float32(1.0 / n))

        def vmax(c, mx):
            m0 = jnp.maximum(jnp.abs(xrow[pl.ds(c * 4 * _L, _L)]),
                             jnp.abs(xrow[pl.ds((c * 4 + 1) * _L, _L)]))
            m1 = jnp.maximum(jnp.abs(xrow[pl.ds((c * 4 + 2) * _L, _L)]),
                             jnp.abs(xrow[pl.ds((c * 4 + 3) * _L, _L)]))
            for q in range(4):
                outrow[pl.ds((c * 4 + q) * _L, _L)] = u
            return jnp.maximum(mx, jnp.maximum(m0, m1))

        mx = jnp.max(lax.fori_loop(0, nv // 4, vmax,
                                   jnp.zeros((_L,), jnp.float32)), axis=0)

        @pl.when(mx > jnp.float32(512.0))
        def _general():
            _general_path(n, row, xrow, ak, av, bk, bv,
                          hist, sarr, sp, starts, pid, sgarr, zarr, tneg,
                          psum, pcnt, pval, pnb, pstart, yarr, outrow)

        pltpu.sync_copy(outrow, out_hbm.at[row])


def _general_path(n, row, xrow, ak, av, bk, bv, hist,
                  sarr, sp, starts, pid, sgarr, zarr, tneg, psum, pcnt, pval,
                  pnb, pstart, yarr, outrow):
    nv = n // _L
    lane = _lane()
    izero = jnp.zeros((_L,), jnp.int32)
    ones = jnp.ones((_L,), jnp.int32)

    def init_b(c, _):
        xv = xrow[pl.ds(c * _L, _L)]
        ak[pl.ds(c * _L, _L)] = (plsc.bitcast(xv, jnp.int32)
                                 & jnp.int32(0x7FFFFFFF))
        av[pl.ds(c * _L, _L)] = c * _L + lane
        return 0

    lax.fori_loop(0, nv, init_b, 0)

    def radix_pass(p, _):
        shift = p * 6

        def hzero(t, __):
            hist[pl.ds(t * _L, _L)] = izero
            return 0

        lax.fori_loop(0, _NB, hzero, 0)

        def hbuild(c, __):
            k = plsc.load_gather(ak, [lane * nv + c])
            d = (k >> shift) & (_NB - 1)
            plsc.addupdate_scatter(hist, [(d << 4) + lane], ones)
            return 0

        lax.fori_loop(0, nv, hbuild, 0)

        def hscan(t, carry):
            v = hist[pl.ds(t * _L, _L)]
            incl = plsc.cumsum(v)
            hist[pl.ds(t * _L, _L)] = incl - v + carry
            return carry + _last(incl)

        lax.fori_loop(0, _NB, hscan, izero)

        flip = p == _NPASS - 1

        def body(c, __):
            ridx = lane * nv + c
            k = plsc.load_gather(ak, [ridx])
            v = plsc.load_gather(av, [ridx])
            bkey = (((k >> shift) & (_NB - 1)) << 4) + lane
            pos = plsc.load_gather(hist, [bkey])
            plsc.addupdate_scatter(hist, [bkey], ones)
            pos = jnp.where(flip, (n - 1) - pos, pos)
            plsc.store_scatter(bk, [pos], k)
            plsc.store_scatter(bv, [pos], v)
            return 0

        lax.fori_loop(0, nv, body, 0)

        def copyback(c, __):
            ak[pl.ds(c * _L, _L)] = bk[pl.ds(c * _L, _L)]
            av[pl.ds(c * _L, _L)] = bv[pl.ds(c * _L, _L)]
            return 0

        lax.fori_loop(0, nv, copyback, 0)
        return 0

    lax.fori_loop(0, _NPASS, radix_pass, 0)

    def sbuild(c, carry):
        acc, prevtail, cnt = carry
        vi = av[pl.ds(c * _L, _L)]
        xv = plsc.load_gather(xrow, [vi])
        w = ((n - 1) - (c * _L + lane)).astype(jnp.float32)
        s = jnp.abs(xv) - _BETA * w
        sarr[pl.ds(c * _L, _L)] = s
        incl = plsc.cumsum(s)
        sp[pl.ds(c * _L, _L)] = incl + acc
        sgarr[pl.ds(c * _L, _L)] = jnp.sign(xv)
        prev = jnp.where(lane == 0, prevtail,
                         _vgather(s, jnp.maximum(lane - 1, 0)))
        m = s < prev
        mi = m.astype(jnp.int32)
        micl = plsc.cumsum(mi)
        b = cnt + micl - 1
        plsc.store_scatter(starts, [b], c * _L + lane, mask=m)
        return acc + _last(incl), _last(s), cnt + _last(micl)

    _, _, cnt = lax.fori_loop(
        0, nv, sbuild,
        (jnp.zeros((_L,), jnp.float32), _splat(jnp.float32(jnp.inf)),
         izero))
    num_blocks = jnp.max(cnt, axis=0)
    _sput(starts, num_blocks, jnp.int32(n))

    def pav(j, top):
        b0 = _sget(starts, j)
        b1 = _sget(starts, j + 1)
        cs = _sget(sp, b1 - 1) - jnp.where(
            b0 > 0, _sget(sp, jnp.maximum(b0 - 1, 0)), jnp.float32(0.0))
        cc = (b1 - b0).astype(jnp.float32)

        def wcond(st):
            _, _, cv_, _, _, t = st
            return (t >= 0) & (_sget(pval, jnp.maximum(t, 0)) <= cv_)

        def wbody(st):
            cs_, cc_, _, nb_, _, t = st
            cs2 = cs_ + _sget(psum, t)
            cc2 = cc_ + _sget(pcnt, t)
            return (cs2, cc2, _sdiv(cs2, cc2), nb_ + _sget(pnb, t),
                    _sget(pstart, t), t - 1)

        cs, cc, cv, nb, bst, top = lax.while_loop(
            wcond, wbody, (cs, cc, _sdiv(cs, cc), jnp.int32(1), b0, top))
        top = top + 1
        _sput(psum, top, cs)
        _sput(pcnt, top, cc)
        _sput(pval, top, cv)
        _sput(pnb, top, nb)
        _sput(pstart, top, bst)
        return top

    top = lax.fori_loop(0, num_blocks, pav, jnp.int32(-1))

    def pzero(c, _):
        pid[pl.ds(c * _L, _L)] = izero
        return 0

    lax.fori_loop(0, nv, pzero, 0)

    def mark(t, _):
        _sput(pid, _sget(pstart, t), jnp.int32(1))
        return 0

    lax.fori_loop(1, top + 1, mark, 0)

    def pscan(c, carry):
        v = pid[pl.ds(c * _L, _L)]
        incl = plsc.cumsum(v)
        pid[pl.ds(c * _L, _L)] = incl + carry
        return carry + _last(incl)

    lax.fori_loop(0, nv, pscan, izero)

    def zzero(c, _):
        zarr[pl.ds(c * _L, _L)] = jnp.zeros((_L,), jnp.float32)
        return 0

    lax.fori_loop(0, nv + 1, zzero, 0)

    def ybuild(c, carry):
        np_, nn_ = carry
        pidv = pid[pl.ds(c * _L, _L)]
        yv = jnp.maximum(plsc.load_gather(pval, [pidv]), 0.0)
        yarr[pl.ds(c * _L, _L)] = yv
        sg = sgarr[pl.ds(c * _L, _L)]
        pm = sg > 0
        nm = sg < 0
        pi = pm.astype(jnp.int32)
        ni = nm.astype(jnp.int32)
        picl = plsc.cumsum(pi)
        nicl = plsc.cumsum(ni)
        plsc.store_scatter(zarr, [np_ + picl - pi], yv, mask=pm)
        plsc.store_scatter(tneg, [nn_ + nicl - ni], yv, mask=nm)
        return np_ + _last(picl), nn_ + _last(nicl)

    npos_v, nneg_v = lax.fori_loop(0, nv, ybuild, (izero, izero))
    nneg = jnp.max(nneg_v, axis=0)
    zstart = n - nneg

    def zneg(c, _):
        base = c * _L + lane
        valid = base < nneg
        src = jnp.maximum(nneg - 1 - base, 0)
        tv = plsc.load_gather(tneg, [src], mask=valid)
        dst = jnp.minimum(zstart + base, n + _L - 1)
        plsc.store_scatter(zarr, [dst], -tv, mask=valid)
        return 0

    lax.fori_loop(0, nv, zneg, 0)

    def tau_scan(c, carry):
        acc, cnt_, ssum_ = carry
        zv = zarr[pl.ds(c * _L, _L)]
        incl = plsc.cumsum(zv)
        cs = incl + acc
        kk = (c * _L + lane + 1).astype(jnp.float32)
        cond = (1.0 + kk * zv) > cs
        return (acc + _last(incl), cnt_ + cond.astype(jnp.int32),
                ssum_ + jnp.where(cond, zv, 0.0))

    _, kz_v, ssum_v = lax.fori_loop(
        0, nv, tau_scan,
        (jnp.zeros((_L,), jnp.float32), izero,
         jnp.zeros((_L,), jnp.float32)))
    k_z = jnp.sum(kz_v, axis=0)
    ssum = jnp.sum(ssum_v, axis=0)
    tau = _sdiv(ssum - 1.0, jnp.maximum(k_z, 1).astype(jnp.float32))

    def obuild(c, _):
        yv = yarr[pl.ds(c * _L, _L)]
        sg = sgarr[pl.ds(c * _L, _L)]
        vi = av[pl.ds(c * _L, _L)]
        plsc.store_scatter(outrow, [vi], jnp.maximum(sg * yv - tau, 0.0))
        return 0

    lax.fori_loop(0, nv, obuild, 0)


@jax.jit
def kernel(x):
    r, n = x.shape
    assert n % _L == 0
    mesh = plsc.VectorSubcoreMesh(core_axis_name="c", subcore_axis_name="s")
    f32, i32 = jnp.float32, jnp.int32
    scratch = [
        pltpu.VMEM((n,), f32),
        pltpu.VMEM((n,), i32),
        pltpu.VMEM((n,), i32),
        pltpu.VMEM((n,), i32),
        pltpu.VMEM((n,), i32),
        pltpu.VMEM((_NB * _L,), i32),
        pltpu.VMEM((n,), f32),
        pltpu.VMEM((n,), f32),
        pltpu.VMEM((n + _L,), i32),
        pltpu.VMEM((n,), i32),
        pltpu.VMEM((n,), f32),
        pltpu.VMEM((n + _L,), f32),
        pltpu.VMEM((n + _L,), f32),
        pltpu.VMEM((n,), f32),
        pltpu.VMEM((n,), f32),
        pltpu.VMEM((n,), f32),
        pltpu.VMEM((n,), i32),
        pltpu.VMEM((n,), i32),
        pltpu.VMEM((n,), f32),
        pltpu.VMEM((n,), f32),
    ]
    fn = pl.kernel(
        functools.partial(_oscarmax_body, n),
        out_type=jax.ShapeDtypeStruct((r, n), jnp.float32),
        mesh=mesh,
        scratch_types=scratch,
        compiler_params=pltpu.CompilerParams(needs_layout_passes=False),
    )
    return fn(x)

# --- scband reference (transcript-rebuilt; emitter-appended) ---
"""Pipeline reference for scband-oscarmax-13211319402877 (READ-ONLY COPY).

The authoritative reference and input builder live on the scoring server;
editing this copy changes nothing except your own understanding.
"""

import jax, jax.numpy as jnp
import numpy as np

BETA = 1.0


def _isotonic_dec(s):
    # Non-increasing isotonic regression with lower bound 0 (PAV solution via
    # the min-max characterization: yhat_i = min_{j<=i} max_{k>=i} mean(s[j..k])).
    n = s.shape[0]
    S = jnp.concatenate([jnp.zeros((1,), s.dtype), jnp.cumsum(s)])
    j = jnp.arange(n)[:, None]
    k = jnp.arange(n)[None, :]
    valid = k >= j
    denom = jnp.where(valid, (k - j + 1).astype(s.dtype), jnp.ones((), s.dtype))
    M = jnp.where(valid, (S[k + 1] - S[j]) / denom, -jnp.inf)
    # R[j, i] = max_{k >= i} M[j, k]
    R = jnp.flip(jax.lax.cummax(jnp.flip(M, axis=1), axis=1), axis=1)
    R = jnp.where(valid, R, jnp.inf)
    # C[i, i] = min_{j <= i} R[j, i]
    C = jax.lax.cummin(R, axis=0)
    y = jnp.diagonal(C)
    return jnp.maximum(y, jnp.zeros((), s.dtype))


def _prox_owl_row(v, w):
    # Proximal operator of the OWL norm dot(w, reversed(sort(|v|))).
    v_abs = jnp.abs(v)
    ix = jnp.argsort(-v_abs)  # descending sort of |v|
    y = _isotonic_dec(v_abs[ix] - w)
    inv = jnp.argsort(ix)
    return jnp.sign(v) * y[inv]


def _sparsemax_row(z):
    n = z.shape[0]
    z_sorted = jnp.flip(jnp.sort(z))
    cs = jnp.cumsum(z_sorted)
    kk = jnp.arange(1, n + 1, dtype=z.dtype)
    support = (1.0 + kk * z_sorted) > cs
    k_z = jnp.maximum(jnp.sum(support), 1).astype(z.dtype)
    tau = (jnp.sum(jnp.where(support, z_sorted, jnp.zeros((), z.dtype))) - 1.0) / k_z
    return jnp.maximum(z - tau, jnp.zeros((), z.dtype))


def _oscarmax(x, beta):
    n = x.shape[1]
    # _oscar_weights(alpha=0, beta, n) = beta * arange(n-1, -1, -1)
    w = beta * jnp.arange(n - 1, -1, -1, dtype=x.dtype)

    def row_fn(v):
        return _sparsemax_row(_prox_owl_row(v, w))

    return jax.lax.map(row_fn, x)


def setup_inputs(seed: int = 0) -> dict:
    key = jax.random.key(seed)
    x = jax.random.normal(key, (8, 2048), dtype=jnp.float32)
    return {"x": x}


def reference(x):
    return _oscarmax(x, BETA)

if __name__ == "__main__":
    import jax
    _d = setup_inputs()
    print(jax.jit(kernel)(*tuple(_d.values())))

</pallas_src>

<mosaic_0001>
#map = affine_map<(d0, d1) -> (0, 0)>
module attributes {stable_mosaic.version = 14 : i64} {
  func.func @_oscarmax_body(%arg0: i32, %arg1: i32, %arg2: memref<8x2048xf32, #tpu.memory_space<hbm>>, %arg3: memref<8x2048xf32, #tpu.memory_space<hbm>>, %arg4: memref<2048xf32, #tpu.memory_space<vmem>>, %arg5: memref<2048xi32, #tpu.memory_space<vmem>>, %arg6: memref<2048xi32, #tpu.memory_space<vmem>>, %arg7: memref<2048xi32, #tpu.memory_space<vmem>>, %arg8: memref<2048xi32, #tpu.memory_space<vmem>>, %arg9: memref<1024xi32, #tpu.memory_space<vmem>>, %arg10: memref<2048xf32, #tpu.memory_space<vmem>>, %arg11: memref<2048xf32, #tpu.memory_space<vmem>>, %arg12: memref<2064xi32, #tpu.memory_space<vmem>>, %arg13: memref<2048xi32, #tpu.memory_space<vmem>>, %arg14: memref<2048xf32, #tpu.memory_space<vmem>>, %arg15: memref<2064xf32, #tpu.memory_space<vmem>>, %arg16: memref<2064xf32, #tpu.memory_space<vmem>>, %arg17: memref<2048xf32, #tpu.memory_space<vmem>>, %arg18: memref<2048xf32, #tpu.memory_space<vmem>>, %arg19: memref<2048xf32, #tpu.memory_space<vmem>>, %arg20: memref<2048xi32, #tpu.memory_space<vmem>>, %arg21: memref<2048xi32, #tpu.memory_space<vmem>>, %arg22: memref<2048xf32, #tpu.memory_space<vmem>>, %arg23: memref<2048xf32, #tpu.memory_space<vmem>>) attributes {dimension_semantics = [#tpu.dimension_semantics<core_parallel>, #tpu.dimension_semantics<subcore_parallel>], iteration_bounds = array<i64: 2, 16>, scalar_prefetch = 0 : i64, scratch_operands = 20 : i64, tpu.core_type = #tpu.core_type<sc_vector_subcore>, window_params = [{transform_indices = #map}, {transform_indices = #map}]} {
    %mul3A = arith.constant 2 : i32
    %mul3A_0 = arith.muli %arg1, %mul3A : i32
    %add3A = arith.addi %mul3A_0, %arg0 : i32
    %lt3A = arith.constant 8 : i32
    %lt3A_1 = arith.cmpi slt, %add3A, %lt3A : i32
    %convert_element_type3A = arith.extui %lt3A_1 : i1 to i32
    %cond3A = arith.constant 0 : i32
    %cond3A_2 = arith.cmpi ne, %convert_element_type3A, %cond3A : i32
    scf.if %cond3A_2 {
      "tpu.region"() ({
        %run_scoped3A = tpu.sem_alloc : memref<!tpu.dma_semaphore, #tpu.memory_space<semaphore_mem>>
        %dma_start3A = arith.constant 0 : i32
        %dma_start3A_18 = tpu.memref_slice %arg2[%add3A, %dma_start3A] : memref<8x2048xf32, #tpu.memory_space<hbm>> -> memref<1x2048xf32, #tpu.memory_space<hbm>>
        %dma_start3A_19 = tpu.memref_squeeze %dma_start3A_18 : memref<1x2048xf32, #tpu.memory_space<hbm>> -> memref<2048xf32, #tpu.memory_space<hbm>>
        %dma_start3A_20 = arith.constant 0 : i32
        %dma_start3A_21 = tpu.memref_slice %arg2[%add3A, %dma_start3A_20] : memref<8x2048xf32, #tpu.memory_space<hbm>> -> memref<1x2048xf32, #tpu.memory_space<hbm>>
        %dma_start3A_22 = tpu.memref_squeeze %dma_start3A_21 : memref<1x2048xf32, #tpu.memory_space<hbm>> -> memref<2048xf32, #tpu.memory_space<hbm>>
        tpu.enqueue_dma source(%dma_start3A_22 : memref<2048xf32, #tpu.memory_space<hbm>>) target(%arg4 : memref<2048xf32, #tpu.memory_space<vmem>>) target_semaphore(%run_scoped3A : memref<!tpu.dma_semaphore, #tpu.memory_space<semaphore_mem>>)
        %dma_wait3A = arith.constant 0 : i32
        %dma_wait3A_23 = tpu.memref_slice %arg2[%add3A, %dma_wait3A] : memref<8x2048xf32, #tpu.memory_space<hbm>> -> memref<1x2048xf32, #tpu.memory_space<hbm>>
        %dma_wait3A_24 = tpu.memref_squeeze %dma_wait3A_23 : memref<1x2048xf32, #tpu.memory_space<hbm>> -> memref<2048xf32, #tpu.memory_space<hbm>>
        %dma_wait3A_25 = arith.constant 0 : i32
        %dma_wait3A_26 = tpu.memref_slice %arg2[%add3A, %dma_wait3A_25] : memref<8x2048xf32, #tpu.memory_space<hbm>> -> memref<1x2048xf32, #tpu.memory_space<hbm>>
        %dma_wait3A_27 = tpu.memref_squeeze %dma_wait3A_26 : memref<1x2048xf32, #tpu.memory_space<hbm>> -> memref<2048xf32, #tpu.memory_space<hbm>>
        tpu.wait_dma2 semaphore(%run_scoped3A : memref<!tpu.dma_semaphore, #tpu.memory_space<semaphore_mem>>) src(%dma_wait3A_27 : memref<2048xf32, #tpu.memory_space<hbm>>) dst(%arg4 : memref<2048xf32, #tpu.memory_space<vmem>>)
        tpu.yield
      }) : () -> ()
      %broadcast_in_dim3A = arith.constant 4.8828125E-4 : f32
      %broadcast_in_dim3A_3 = vector.broadcast %broadcast_in_dim3A : f32 to vector<16xf32>
      %broadcast_in_dim3A_4 = arith.constant 0.000000e+00 : f32
      %broadcast_in_dim3A_5 = vector.broadcast %broadcast_in_dim3A_4 : f32 to vector<16xf32>
      %scan3A = arith.constant 0 : i32
      %scan3A_6 = arith.constant 32 : i32
      %scan3A_7 = arith.addi %scan3A, %scan3A_6 : i32
      %scan3A_8 = arith.constant 1 : i32
      %scan3A_9 = scf.for %scan3A_18 = %scan3A to %scan3A_7 step %scan3A_8 iter_args(%scan3A_19 = %broadcast_in_dim3A_5) -> (vector<16xf32>)  : i32 {
        %mul3A_20 = arith.constant 4 : i32
        %mul3A_21 = arith.muli %scan3A_18, %mul3A_20 : i32
        %mul3A_22 = arith.constant 16 : i32
        %mul3A_23 = arith.muli %mul3A_21, %mul3A_22 : i32
        %get3A = arith.index_cast %mul3A_23 : i32 to index
        %get3A_24 = tpu.vector_load %arg4[%get3A] {strides = array<i32>} : memref<2048xf32, #tpu.memory_space<vmem>>, vector<16xf32>,
        %abs3A = math.absf %get3A_24 : vector<16xf32>
        %mul3A_25 = arith.constant 4 : i32
        %mul3A_26 = arith.muli %scan3A_18, %mul3A_25 : i32
        %add3A_27 = arith.constant 1 : i32
        %add3A_28 = arith.addi %mul3A_26, %add3A_27 : i32
        %mul3A_29 = arith.constant 16 : i32
        %mul3A_30 = arith.muli %add3A_28, %mul3A_29 : i32
        %get3A_31 = arith.index_cast %mul3A_30 : i32 to index
        %get3A_32 = tpu.vector_load %arg4[%get3A_31] {strides = array<i32>} : memref<2048xf32, #tpu.memory_space<vmem>>, vector<16xf32>,
        %abs3A_33 = math.absf %get3A_32 : vector<16xf32>
        %max3A = arith.maximumf %abs3A, %abs3A_33 : vector<16xf32>
        %mul3A_34 = arith.constant 4 : i32
        %mul3A_35 = arith.muli %scan3A_18, %mul3A_34 : i32
        %add3A_36 = arith.constant 2 : i32
        %add3A_37 = arith.addi %mul3A_35, %add3A_36 : i32
        %mul3A_38 = arith.constant 16 : i32
        %mul3A_39 = arith.muli %add3A_37, %mul3A_38 : i32
        %get3A_40 = arith.index_cast %mul3A_39 : i32 to index
        %get3A_41 = tpu.vector_load %arg4[%get3A_40] {strides = array<i32>} : memref<2048xf32, #tpu.memory_space<vmem>>, vector<16xf32>,
        %abs3A_42 = math.absf %get3A_41 : vector<16xf32>
        %mul3A_43 = arith.constant 4 : i32
        %mul3A_44 = arith.muli %scan3A_18, %mul3A_43 : i32
        %add3A_45 = arith.constant 3 : i32
        %add3A_46 = arith.addi %mul3A_44, %add3A_45 : i32
        %mul3A_47 = arith.constant 16 : i32
        %mul3A_48 = arith.muli %add3A_46, %mul3A_47 : i32
        %get3A_49 = arith.index_cast %mul3A_48 : i32 to index
        %get3A_50 = tpu.vector_load %arg4[%get3A_49] {strides = array<i32>} : memref<2048xf32, #tpu.memory_space<vmem>>, vector<16xf32>,
        %abs3A_51 = math.absf %get3A_50 : vector<16xf32>
        %max3A_52 = arith.maximumf %abs3A_42, %abs3A_51 : vector<16xf32>
        %mul3A_53 = arith.constant 4 : i32
        %mul3A_54 = arith.muli %scan3A_18, %mul3A_53 : i32
        %add3A_55 = arith.constant 0 : i32
        %add3A_56 = arith.addi %mul3A_54, %add3A_55 : i32
        %mul3A_57 = arith.constant 16 : i32
        %mul3A_58 = arith.muli %add3A_56, %mul3A_57 : i32
        %swap3A = arith.index_cast %mul3A_58 : i32 to index
        %swap3A_59 = tpu.vector_load %arg23[%swap3A] {strides = array<i32>} : memref<2048xf32, #tpu.memory_space<vmem>>, vector<16xf32>,
        tpu.vector_store %arg23[%swap3A], %broadcast_in_dim3A_3 {strides = array<i32>} : memref<2048xf32, #tpu.memory_space<vmem>>, vector<16xf32>,
        %mul3A_60 = arith.constant 4 : i32
        %mul3A_61 = arith.muli %scan3A_18, %mul3A_60 : i32
        %add3A_62 = arith.constant 1 : i32
        %add3A_63 = arith.addi %mul3A_61, %add3A_62 : i32
        %mul3A_64 = arith.constant 16 : i32
        %mul3A_65 = arith.muli %add3A_63, %mul3A_64 : i32
        %swap3A_66 = arith.index_cast %mul3A_65 : i32 to index
        %swap3A_67 = tpu.vector_load %arg23[%swap3A_66] {strides = array<i32>} : memref<2048xf32, #tpu.memory_space<vmem>>, vector<16xf32>,
        tpu.vector_store %arg23[%swap3A_66], %broadcast_in_dim3A_3 {strides = array<i32>} : memref<2048xf32, #tpu.memory_space<vmem>>, vector<16xf32>,
        %mul3A_68 = arith.constant 4 : i32
        %mul3A_69 = arith.muli %scan3A_18, %mul3A_68 : i32
        %add3A_70 = arith.constant 2 : i32
        %add3A_71 = arith.addi %mul3A_69, %add3A_70 : i32
        %mul3A_72 = arith.constant 16 : i32
        %mul3A_73 = arith.muli %add3A_71, %mul3A_72 : i32
        %swap3A_74 = arith.index_cast %mul3A_73 : i32 to index
        %swap3A_75 = tpu.vector_load %arg23[%swap3A_74] {strides = array<i32>} : memref<2048xf32, #tpu.memory_space<vmem>>, vector<16xf32>,
        tpu.vector_store %arg23[%swap3A_74], %broadcast_in_dim3A_3 {strides = array<i32>} : memref<2048xf32, #tpu.memory_space<vmem>>, vector<16xf32>,
        %mul3A_76 = arith.constant 4 : i32
        %mul3A_77 = arith.muli %scan3A_18, %mul3A_76 : i32
        %add3A_78 = arith.constant 3 : i32
        %add3A_79 = arith.addi %mul3A_77, %add3A_78 : i32
        %mul3A_80 = arith.constant 16 : i32
        %mul3A_81 = arith.muli %add3A_79, %mul3A_80 : i32
        %swap3A_82 = arith.index_cast %mul3A_81 : i32 to index
        %swap3A_83 = tpu.vector_load %arg23[%swap3A_82] {strides = array<i32>} : memref<2048xf32, #tpu.memory_space<vmem>>, vector<16xf32>,
        tpu.vector_store %arg23[%swap3A_82], %broadcast_in_dim3A_3 {strides = array<i32>} : memref<2048xf32, #tpu.memory_space<vmem>>, vector<16xf32>,
        %max3A_84 = arith.maximumf %max3A, %max3A_52 : vector<16xf32>
        %max3A_85 = arith.maximumf %scan3A_19, %max3A_84 : vector<16xf32>
        scf.yield %max3A_85 : vector<16xf32>
      }
      %scan3A_10 = arith.constant 32 : i32
      %reduce_max3A = arith.constant true
      %reduce_max3A_11 = vector.broadcast %reduce_max3A : i1 to vector<16xi1>
      %reduce_max3A_12 = tpu.scan <max>, %scan3A_9 masked %reduce_max3A_11 : vector<16xf32>, vector<16xi1> -> vector<16xf32>
      %reduce_max3A_13 = vector.extract %reduce_max3A_12[15] : f32 from vector<16xf32>
      %gt3A = arith.constant 5.120000e+02 : f32
      %gt3A_14 = arith.cmpf ogt, %reduce_max3A_13, %gt3A : f32
      %convert_element_type3A_15 = arith.extui %gt3A_14 : i1 to i32
      %cond3A_16 = arith.constant 0 : i32
      %cond3A_17 = arith.cmpi ne, %convert_element_type3A_15, %cond3A_16 : i32
      scf.if %cond3A_17 {
        %iota3A = tpu.iota {dimensions = array<i32: 0>} : vector<16xi32>
        %broadcast_in_dim3A_18 = arith.constant 0 : i32
        %broadcast_in_dim3A_19 = vector.broadcast %broadcast_in_dim3A_18 : i32 to vector<16xi32>
        %broadcast_in_dim3A_20 = arith.constant 1 : i32
        %broadcast_in_dim3A_21 = vector.broadcast %broadcast_in_dim3A_20 : i32 to vector<16xi32>
        %scan3A_22 = arith.constant 0 : i32
        %scan3A_23 = arith.constant 0 : i32
        %scan3A_24 = arith.constant 128 : i32
        %scan3A_25 = arith.addi %scan3A_23, %scan3A_24 : i32
        %scan3A_26 = arith.constant 1 : i32
        %scan3A_27 = scf.for %scan3A_161 = %scan3A_23 to %scan3A_25 step %scan3A_26 iter_args(%scan3A_162 = %scan3A_22) -> (i32)  : i32 {
          %mul3A_163 = arith.constant 16 : i32
          %mul3A_164 = arith.muli %scan3A_161, %mul3A_163 : i32
          %get3A = arith.index_cast %mul3A_164 : i32 to index
          %get3A_165 = tpu.vector_load %arg4[%get3A] {strides = array<i32>} : memref<2048xf32, #tpu.memory_space<vmem>>, vector<16xf32>,
          %bitcast3A = vector.bitcast %get3A_165 : vector<16xf32> to vector<16xi32>
          %and3A = arith.constant 2147483647 : i32
          %and3A_166 = vector.broadcast %and3A : i32 to vector<16xi32>
          %and3A_167 = arith.andi %bitcast3A, %and3A_166 : vector<16xi32>
          %mul3A_168 = arith.constant 16 : i32
          %mul3A_169 = arith.muli %scan3A_161, %mul3A_168 : i32
          %swap3A = arith.index_cast %mul3A_169 : i32 to index
          %swap3A_170 = tpu.vector_load %arg5[%swap3A] {strides = array<i32>} : memref<2048xi32, #tpu.memory_space<vmem>>, vector<16xi32>,
          tpu.vector_store %arg5[%swap3A], %and3A_167 {strides = array<i32>} : memref<2048xi32, #tpu.memory_space<vmem>>, vector<16xi32>,
          %mul3A_171 = arith.constant 16 : i32
          %mul3A_172 = arith.muli %scan3A_161, %mul3A_171 : i32
          %add3A_173 = vector.broadcast %mul3A_172 : i32 to vector<16xi32>
          %add3A_174 = arith.addi %add3A_173, %iota3A : vector<16xi32>
          %mul3A_175 = arith.constant 16 : i32
          %mul3A_176 = arith.muli %scan3A_161, %mul3A_175 : i32
          %swap3A_177 = arith.index_cast %mul3A_176 : i32 to index
          %swap3A_178 = tpu.vector_load %arg6[%swap3A_177] {strides = array<i32>} : memref<2048xi32, #tpu.memory_space<vmem>>, vector<16xi32>,
          tpu.vector_store %arg6[%swap3A_177], %add3A_174 {strides = array<i32>} : memref<2048xi32, #tpu.memory_space<vmem>>, vector<16xi32>,
          %scan3A_179 = arith.constant 0 : i32
          scf.yield %scan3A_179 : i32
        }
        %scan3A_28 = arith.constant 128 : i32
        %scan3A_29 = arith.constant 0 : i32
        %scan3A_30 = arith.constant 0 : i32
        %scan3A_31 = arith.constant 6 : i32
        %scan3A_32 = arith.addi %scan3A_30, %scan3A_31 : i32
        %scan3A_33 = arith.constant 1 : i32
        %scan3A_34 = scf.for %scan3A_161 = %scan3A_30 to %scan3A_32 step %scan3A_33 iter_args(%scan3A_162 = %scan3A_29) -> (i32)  : i32 {
          %mul3A_163 = arith.constant 6 : i32
          %mul3A_164 = arith.muli %scan3A_161, %mul3A_163 : i32
          %scan3A_165 = arith.constant 0 : i32
          %scan3A_166 = arith.constant 0 : i32
          %scan3A_167 = arith.constant 64 : i32
          %scan3A_168 = arith.addi %scan3A_166, %scan3A_167 : i32
          %scan3A_169 = arith.constant 1 : i32
          %scan3A_170 = scf.for %scan3A_202 = %scan3A_166 to %scan3A_168 step %scan3A_169 iter_args(%scan3A_203 = %scan3A_165) -> (i32)  : i32 {
            %mul3A_204 = arith.constant 16 : i32
            %mul3A_205 = arith.muli %scan3A_202, %mul3A_204 : i32
            %swap3A = arith.index_cast %mul3A_205 : i32 to index
            %swap3A_206 = tpu.vector_load %arg9[%swap3A] {strides = array<i32>} : memref<1024xi32, #tpu.memory_space<vmem>>, vector<16xi32>,
            tpu.vector_store %arg9[%swap3A], %broadcast_in_dim3A_19 {strides = array<i32>} : memref<1024xi32, #tpu.memory_space<vmem>>, vector<16xi32>,
            %scan3A_207 = arith.constant 0 : i32
            scf.yield %scan3A_207 : i32
          }
          %scan3A_171 = arith.constant 64 : i32
          %scan3A_172 = arith.constant 0 : i32
          %scan3A_173 = arith.constant 0 : i32
          %scan3A_174 = arith.constant 128 : i32
          %scan3A_175 = arith.addi %scan3A_173, %scan3A_174 : i32
          %scan3A_176 = arith.constant 1 : i32
          %scan3A_177 = scf.for %scan3A_202 = %scan3A_173 to %scan3A_175 step %scan3A_176 iter_args(%scan3A_203 = %scan3A_172) -> (i32)  : i32 {
            %mul3A_204 = arith.constant 128 : i32
            %mul3A_205 = vector.broadcast %mul3A_204 : i32 to vector<16xi32>
            %mul3A_206 = arith.muli %iota3A, %mul3A_205 : vector<16xi32>
            %add3A_207 = vector.broadcast %scan3A_202 : i32 to vector<16xi32>
            %add3A_208 = arith.addi %mul3A_206, %add3A_207 : vector<16xi32>
            %gather3A = tpu.vector_load_idx %arg5[%add3A_208] : memref<2048xi32, #tpu.memory_space<vmem>>[vector<16xi32>], vector<16xi32>,
            %shift_right_arithmetic3A = vector.broadcast %mul3A_164 : i32 to vector<16xi32>
            %shift_right_arithmetic3A_209 = arith.shrsi %gather3A, %shift_right_arithmetic3A : vector<16xi32>
            %and3A = arith.constant 63 : i32
            %and3A_210 = vector.broadcast %and3A : i32 to vector<16xi32>
            %and3A_211 = arith.andi %shift_right_arithmetic3A_209, %and3A_210 : vector<16xi32>
            %shift_left3A = arith.constant 4 : i32
            %shift_left3A_212 = vector.broadcast %shift_left3A : i32 to vector<16xi32>
            %shift_left3A_213 = arith.shli %and3A_211, %shift_left3A_212 : vector<16xi32>
            %add3A_214 = arith.addi %shift_left3A_213, %iota3A : vector<16xi32>
            tpu.vector_store_idx %arg9[%add3A_214], %broadcast_in_dim3A_21 {add = true} : memref<1024xi32, #tpu.memory_space<vmem>>[vector<16xi32>], vector<16xi32>,
            %scan3A_215 = arith.constant 0 : i32
            scf.yield %scan3A_215 : i32
          }
          %scan3A_178 = arith.constant 128 : i32
          %scan3A_179 = arith.constant 0 : i32
          %scan3A_180 = arith.constant 64 : i32
          %scan3A_181 = arith.addi %scan3A_179, %scan3A_180 : i32
          %scan3A_182 = arith.constant 1 : i32
          %scan3A_183 = scf.for %scan3A_202 = %scan3A_179 to %scan3A_181 step %scan3A_182 iter_args(%scan3A_203 = %broadcast_in_dim3A_19) -> (vector<16xi32>)  : i32 {
            %mul3A_204 = arith.constant 16 : i32
            %mul3A_205 = arith.muli %scan3A_202, %mul3A_204 : i32
            %get3A = arith.index_cast %mul3A_205 : i32 to index
            %get3A_206 = tpu.vector_load %arg9[%get3A] {strides = array<i32>} : memref<1024xi32, #tpu.memory_space<vmem>>, vector<16xi32>,
            %broadcast_in_dim3A_207 = arith.constant true
            %broadcast_in_dim3A_208 = vector.broadcast %broadcast_in_dim3A_207 : i1 to vector<16xi1>
            %masked_cumsum3A = tpu.scan <sum>, %get3A_206 masked %broadcast_in_dim3A_208 : vector<16xi32>, vector<16xi1> -> vector<16xi32>
            %sub3A_209 = arith.subi %masked_cumsum3A, %get3A_206 : vector<16xi32>
            %add3A_210 = arith.addi %sub3A_209, %scan3A_203 : vector<16xi32>
            %mul3A_211 = arith.constant 16 : i32
            %mul3A_212 = arith.muli %scan3A_202, %mul3A_211 : i32
            %swap3A = arith.index_cast %mul3A_212 : i32 to index
            %swap3A_213 = tpu.vector_load %arg9[%swap3A] {strides = array<i32>} : memref<1024xi32, #tpu.memory_space<vmem>>, vector<16xi32>,
            tpu.vector_store %arg9[%swap3A], %add3A_210 {strides = array<i32>} : memref<1024xi32, #tpu.memory_space<vmem>>, vector<16xi32>,
            %broadcast_in_dim3A_214 = arith.constant 15 : i32
            %broadcast_in_dim3A_215 = vector.broadcast %broadcast_in_dim3A_214 : i32 to vector<16xi32>
            %broadcast_in_dim3A_216 = vector.shape_cast %broadcast_in_dim3A_215 : vector<16xi32> to vector<16x1xi32>
            %gather3A = vector.shape_cast %broadcast_in_dim3A_216 : vector<16x1xi32> to vector<16xi32>
            %gather3A_217 = tpu.dynamic_gather %masked_cumsum3A[%gather3A] in [0] : vector<16xi32>, vector<16xi32> -> vector<16xi32>
            %add3A_218 = arith.addi %scan3A_203, %gather3A_217 : vector<16xi32>
            scf.yield %add3A_218 : vector<16xi32>
          }
          %scan3A_184 = arith.constant 64 : i32
          %eq3A_185 = arith.constant 5 : i32
          %eq3A_186 = arith.cmpi eq, %scan3A_161, %eq3A_185 : i32
          %scan3A_187 = arith.constant 0 : i32
          %scan3A_188 = arith.constant 0 : i32
          %scan3A_189 = arith.constant 128 : i32
          %scan3A_190 = arith.addi %scan3A_188, %scan3A_189 : i32
          %scan3A_191 = arith.constant 1 : i32
          %scan3A_192 = scf.for %scan3A_202 = %scan3A_188 to %scan3A_190 step %scan3A_191 iter_args(%scan3A_203 = %scan3A_187) -> (i32)  : i32 {
            %mul3A_204 = arith.constant 128 : i32
            %mul3A_205 = vector.broadcast %mul3A_204 : i32 to vector<16xi32>
            %mul3A_206 = arith.muli %iota3A, %mul3A_205 : vector<16xi32>
            %add3A_207 = vector.broadcast %scan3A_202 : i32 to vector<16xi32>
            %add3A_208 = arith.addi %mul3A_206, %add3A_207 : vector<16xi32>
            %gather3A = tpu.vector_load_idx %arg5[%add3A_208] : memref<2048xi32, #tpu.memory_space<vmem>>[vector<16xi32>], vector<16xi32>,
            %gather3A_209 = tpu.vector_load_idx %arg6[%add3A_208] : memref<2048xi32, #tpu.memory_space<vmem>>[vector<16xi32>], vector<16xi32>,
            %shift_right_arithmetic3A = vector.broadcast %mul3A_164 : i32 to vector<16xi32>
            %shift_right_arithmetic3A_210 = arith.shrsi %gather3A, %shift_right_arithmetic3A : vector<16xi32>
            %and3A = arith.constant 63 : i32
            %and3A_211 = vector.broadcast %and3A : i32 to vector<16xi32>
            %and3A_212 = arith.andi %shift_right_arithmetic3A_210, %and3A_211 : vector<16xi32>
            %shift_left3A = arith.constant 4 : i32
            %shift_left3A_213 = vector.broadcast %shift_left3A : i32 to vector<16xi32>
            %shift_left3A_214 = arith.shli %and3A_212, %shift_left3A_213 : vector<16xi32>
            %add3A_215 = arith.addi %shift_left3A_214, %iota3A : vector<16xi32>
            %gather3A_216 = tpu.vector_load_idx %arg9[%add3A_215] : memref<1024xi32, #tpu.memory_space<vmem>>[vector<16xi32>], vector<16xi32>,
            tpu.vector_store_idx %arg9[%add3A_215], %broadcast_in_dim3A_21 {add = true} : memref<1024xi32, #tpu.memory_space<vmem>>[vector<16xi32>], vector<16xi32>,
            %sub3A_217 = arith.constant 2047 : i32
            %sub3A_218 = vector.broadcast %sub3A_217 : i32 to vector<16xi32>
            %sub3A_219 = arith.subi %sub3A_218, %gather3A_216 : vector<16xi32>
            %select_n3A = arith.select %eq3A_186, %sub3A_219, %gather3A_216 : vector<16xi32>
            tpu.vector_store_idx %arg7[%select_n3A], %gather3A : memref<2048xi32, #tpu.memory_space<vmem>>[vector<16xi32>], vector<16xi32>,
            tpu.vector_store_idx %arg8[%select_n3A], %gather3A_209 : memref<2048xi32, #tpu.memory_space<vmem>>[vector<16xi32>], vector<16xi32>,
            %scan3A_220 = arith.constant 0 : i32
            scf.yield %scan3A_220 : i32
          }
          %scan3A_193 = arith.constant 128 : i32
          %scan3A_194 = arith.constant 0 : i32
          %scan3A_195 = arith.constant 0 : i32
          %scan3A_196 = arith.constant 128 : i32
          %scan3A_197 = arith.addi %scan3A_195, %scan3A_196 : i32
          %scan3A_198 = arith.constant 1 : i32
          %scan3A_199 = scf.for %scan3A_202 = %scan3A_195 to %scan3A_197 step %scan3A_198 iter_args(%scan3A_203 = %scan3A_194) -> (i32)  : i32 {
            %mul3A_204 = arith.constant 16 : i32
            %mul3A_205 = arith.muli %scan3A_202, %mul3A_204 : i32
            %get3A = arith.index_cast %mul3A_205 : i32 to index
            %get3A_206 = tpu.vector_load %arg7[%get3A] {strides = array<i32>} : memref<2048xi32, #tpu.memory_space<vmem>>, vector<16xi32>,
            %mul3A_207 = arith.constant 16 : i32
            %mul3A_208 = arith.muli %scan3A_202, %mul3A_207 : i32
            %swap3A = arith.index_cast %mul3A_208 : i32 to index
            %swap3A_209 = tpu.vector_load %arg5[%swap3A] {strides = array<i32>} : memref<2048xi32, #tpu.memory_space<vmem>>, vector<16xi32>,
            tpu.vector_store %arg5[%swap3A], %get3A_206 {strides = array<i32>} : memref<2048xi32, #tpu.memory_space<vmem>>, vector<16xi32>,
            %mul3A_210 = arith.constant 16 : i32
            %mul3A_211 = arith.muli %scan3A_202, %mul3A_210 : i32
            %get3A_212 = arith.index_cast %mul3A_211 : i32 to index
            %get3A_213 = tpu.vector_load %arg8[%get3A_212] {strides = array<i32>} : memref<2048xi32, #tpu.memory_space<vmem>>, vector<16xi32>,
            %mul3A_214 = arith.constant 16 : i32
            %mul3A_215 = arith.muli %scan3A_202, %mul3A_214 : i32
            %swap3A_216 = arith.index_cast %mul3A_215 : i32 to index
            %swap3A_217 = tpu.vector_load %arg6[%swap3A_216] {strides = array<i32>} : memref<2048xi32, #tpu.memory_space<vmem>>, vector<16xi32>,
            tpu.vector_store %arg6[%swap3A_216], %get3A_213 {strides = array<i32>} : memref<2048xi32, #tpu.memory_space<vmem>>, vector<16xi32>,
            %scan3A_218 = arith.constant 0 : i32
            scf.yield %scan3A_218 : i32
          }
          %scan3A_200 = arith.constant 128 : i32
          %scan3A_201 = arith.constant 0 : i32
          scf.yield %scan3A_201 : i32
        }
        %scan3A_35 = arith.constant 6 : i32
        %broadcast_in_dim3A_36 = arith.constant 0.000000e+00 : f32
        %broadcast_in_dim3A_37 = vector.broadcast %broadcast_in_dim3A_36 : f32 to vector<16xf32>
        %broadcast_in_dim3A_38 = arith.constant 0x7F800000 : f32
        %broadcast_in_dim3A_39 = vector.broadcast %broadcast_in_dim3A_38 : f32 to vector<16xf32>
        %scan3A_40 = arith.constant 0 : i32
        %scan3A_41 = arith.constant 128 : i32
        %scan3A_42 = arith.addi %scan3A_40, %scan3A_41 : i32
        %scan3A_43 = arith.constant 1 : i32
        %scan3A_44:3 = scf.for %scan3A_161 = %scan3A_40 to %scan3A_42 step %scan3A_43 iter_args(%scan3A_162 = %broadcast_in_dim3A_37, %scan3A_163 = %broadcast_in_dim3A_39, %scan3A_164 = %broadcast_in_dim3A_19) -> (vector<16xf32>, vector<16xf32>, vector<16xi32>)  : i32 {
          %mul3A_165 = arith.constant 16 : i32
          %mul3A_166 = arith.muli %scan3A_161, %mul3A_165 : i32
          %get3A = arith.index_cast %mul3A_166 : i32 to index
          %get3A_167 = tpu.vector_load %arg6[%get3A] {strides = array<i32>} : memref<2048xi32, #tpu.memory_space<vmem>>, vector<16xi32>,
          %gather3A = tpu.vector_load_idx %arg4[%get3A_167] : memref<2048xf32, #tpu.memory_space<vmem>>[vector<16xi32>], vector<16xf32>,
          %mul3A_168 = arith.constant 16 : i32
          %mul3A_169 = arith.muli %scan3A_161, %mul3A_168 : i32
          %add3A_170 = vector.broadcast %mul3A_169 : i32 to vector<16xi32>
          %add3A_171 = arith.addi %add3A_170, %iota3A : vector<16xi32>
          %sub3A_172 = arith.constant 2047 : i32
          %sub3A_173 = vector.broadcast %sub3A_172 : i32 to vector<16xi32>
          %sub3A_174 = arith.subi %sub3A_173, %add3A_171 : vector<16xi32>
          %convert_element_type3A_175 = arith.sitofp %sub3A_174 : vector<16xi32> to vector<16xf32>
          %abs3A = math.absf %gather3A : vector<16xf32>
          %mul3A_176 = arith.constant 1.000000e+00 : f32
          %mul3A_177 = vector.broadcast %mul3A_176 : f32 to vector<16xf32>
          %mul3A_178 = arith.mulf %mul3A_177, %convert_element_type3A_175 : vector<16xf32>
          %sub3A_179 = arith.subf %abs3A, %mul3A_178 : vector<16xf32>
          %mul3A_180 = arith.constant 16 : i32
          %mul3A_181 = arith.muli %scan3A_161, %mul3A_180 : i32
          %swap3A = arith.index_cast %mul3A_181 : i32 to index
          %swap3A_182 = tpu.vector_load %arg10[%swap3A] {strides = array<i32>} : memref<2048xf32, #tpu.memory_space<vmem>>, vector<16xf32>,
          tpu.vector_store %arg10[%swap3A], %sub3A_179 {strides = array<i32>} : memref<2048xf32, #tpu.memory_space<vmem>>, vector<16xf32>,
          %broadcast_in_dim3A_183 = arith.constant true
          %broadcast_in_dim3A_184 = vector.broadcast %broadcast_in_dim3A_183 : i1 to vector<16xi1>
          %masked_cumsum3A = tpu.scan <sum>, %sub3A_179 masked %broadcast_in_dim3A_184 : vector<16xf32>, vector<16xi1> -> vector<16xf32>
          %add3A_185 = arith.addf %masked_cumsum3A, %scan3A_162 : vector<16xf32>
          %mul3A_186 = arith.constant 16 : i32
          %mul3A_187 = arith.muli %scan3A_161, %mul3A_186 : i32
          %swap3A_188 = arith.index_cast %mul3A_187 : i32 to index
          %swap3A_189 = tpu.vector_load %arg11[%swap3A_188] {strides = array<i32>} : memref<2048xf32, #tpu.memory_space<vmem>>, vector<16xf32>,
          tpu.vector_store %arg11[%swap3A_188], %add3A_185 {strides = array<i32>} : memref<2048xf32, #tpu.memory_space<vmem>>, vector<16xf32>,
          %sign3A = tpu.bitcast %gather3A : vector<16xf32> -> vector<16xi32>
          %sign3A_190 = arith.constant -2147483648 : i32
          %sign3A_191 = vector.broadcast %sign3A_190 : i32 to vector<16xi32>
          %sign3A_192 = arith.andi %sign3A, %sign3A_191 : vector<16xi32>
          %sign3A_193 = arith.constant 1065353216 : i32
          %sign3A_194 = vector.broadcast %sign3A_193 : i32 to vector<16xi32>
          %sign3A_195 = arith.ori %sign3A_194, %sign3A_192 : vector<16xi32>
          %sign3A_196 = tpu.bitcast %sign3A_195 : vector<16xi32> -> vector<16xf32>
          %sign3A_197 = math.absf %gather3A : vector<16xf32>
          %sign3A_198 = arith.constant 0.000000e+00 : f32
          %sign3A_199 = vector.broadcast %sign3A_198 : f32 to vector<16xf32>
          %sign3A_200 = arith.cmpf ogt, %sign3A_197, %sign3A_199 : vector<16xf32>
          %sign3A_201 = arith.select %sign3A_200, %sign3A_196, %gather3A : vector<16xi1>, vector<16xf32>
          %mul3A_202 = arith.constant 16 : i32
          %mul3A_203 = arith.muli %scan3A_161, %mul3A_202 : i32
          %swap3A_204 = arith.index_cast %mul3A_203 : i32 to index
          %swap3A_205 = tpu.vector_load %arg14[%swap3A_204] {strides = array<i32>} : memref<2048xf32, #tpu.memory_space<vmem>>, vector<16xf32>,
          tpu.vector_store %arg14[%swap3A_204], %sign3A_201 {strides = array<i32>} : memref<2048xf32, #tpu.memory_space<vmem>>, vector<16xf32>,
          %eq3A_206 = arith.constant 0 : i32
          %eq3A_207 = vector.broadcast %eq3A_206 : i32 to vector<16xi32>
          %eq3A_208 = arith.cmpi eq, %iota3A, %eq3A_207 : vector<16xi32>
          %sub3A_209 = arith.constant 1 : i32
          %sub3A_210 = vector.broadcast %sub3A_209 : i32 to vector<16xi32>
          %sub3A_211 = arith.subi %iota3A, %sub3A_210 : vector<16xi32>
          %max3A_212 = arith.constant 0 : i32
          %max3A_213 = vector.broadcast %max3A_212 : i32 to vector<16xi32>
          %max3A_214 = arith.maxsi %sub3A_211, %max3A_213 : vector<16xi32>
          %broadcast_in_dim3A_215 = vector.shape_cast %max3A_214 : vector<16xi32> to vector<16x1xi32>
          %gather3A_216 = vector.shape_cast %broadcast_in_dim3A_215 : vector<16x1xi32> to vector<16xi32>
          %gather3A_217 = tpu.dynamic_gather %sub3A_179[%gather3A_216] in [0] : vector<16xf32>, vector<16xi32> -> vector<16xf32>
          %select_n3A = arith.select %eq3A_208, %scan3A_163, %gather3A_217 : vector<16xi1>, vector<16xf32>
          %lt3A_218 = arith.cmpf olt, %sub3A_179, %select_n3A : vector<16xf32>
          %convert_element_type3A_219 = arith.extui %lt3A_218 : vector<16xi1> to vector<16xi32>
          %broadcast_in_dim3A_220 = arith.constant true
          %broadcast_in_dim3A_221 = vector.broadcast %broadcast_in_dim3A_220 : i1 to vector<16xi1>
          %masked_cumsum3A_222 = tpu.scan <sum>, %convert_element_type3A_219 masked %broadcast_in_dim3A_221 : vector<16xi32>, vector<16xi1> -> vector<16xi32>
          %add3A_223 = arith.addi %scan3A_164, %masked_cumsum3A_222 : vector<16xi32>
          %sub3A_224 = arith.constant 1 : i32
          %sub3A_225 = vector.broadcast %sub3A_224 : i32 to vector<16xi32>
          %sub3A_226 = arith.subi %add3A_223, %sub3A_225 : vector<16xi32>
          %mul3A_227 = arith.constant 16 : i32
          %mul3A_228 = arith.muli %scan3A_161, %mul3A_227 : i32
          %add3A_229 = vector.broadcast %mul3A_228 : i32 to vector<16xi32>
          %add3A_230 = arith.addi %add3A_229, %iota3A : vector<16xi32>
          tpu.vector_store_idx %arg12[%sub3A_226], %add3A_230 masked %lt3A_218 : memref<2064xi32, #tpu.memory_space<vmem>>[vector<16xi32>], vector<16xi32>, vector<16xi1>
          %broadcast_in_dim3A_231 = arith.constant 15 : i32
          %broadcast_in_dim3A_232 = vector.broadcast %broadcast_in_dim3A_231 : i32 to vector<16xi32>
          %broadcast_in_dim3A_233 = vector.shape_cast %broadcast_in_dim3A_232 : vector<16xi32> to vector<16x1xi32>
          %gather3A_234 = vector.shape_cast %broadcast_in_dim3A_233 : vector<16x1xi32> to vector<16xi32>
          %gather3A_235 = tpu.dynamic_gather %masked_cumsum3A[%gather3A_234] in [0] : vector<16xf32>, vector<16xi32> -> vector<16xf32>
          %add3A_236 = arith.addf %scan3A_162, %gather3A_235 : vector<16xf32>
          %broadcast_in_dim3A_237 = arith.constant 15 : i32
          %broadcast_in_dim3A_238 = vector.broadcast %broadcast_in_dim3A_237 : i32 to vector<16xi32>
          %broadcast_in_dim3A_239 = vector.shape_cast %broadcast_in_dim3A_238 : vector<16xi32> to vector<16x1xi32>
          %gather3A_240 = vector.shape_cast %broadcast_in_dim3A_239 : vector<16x1xi32> to vector<16xi32>
          %gather3A_241 = tpu.dynamic_gather %sub3A_179[%gather3A_240] in [0] : vector<16xf32>, vector<16xi32> -> vector<16xf32>
          %broadcast_in_dim3A_242 = arith.constant 15 : i32
          %broadcast_in_dim3A_243 = vector.broadcast %broadcast_in_dim3A_242 : i32 to vector<16xi32>
          %broadcast_in_dim3A_244 = vector.shape_cast %broadcast_in_dim3A_243 : vector<16xi32> to vector<16x1xi32>
          %gather3A_245 = vector.shape_cast %broadcast_in_dim3A_244 : vector<16x1xi32> to vector<16xi32>
          %gather3A_246 = tpu.dynamic_gather %masked_cumsum3A_222[%gather3A_245] in [0] : vector<16xi32>, vector<16xi32> -> vector<16xi32>
          %add3A_247 = arith.addi %scan3A_164, %gather3A_246 : vector<16xi32>
          scf.yield %add3A_236, %gather3A_241, %add3A_247 : vector<16xf32>, vector<16xf32>, vector<16xi32>
        }
        %scan3A_45 = arith.constant 128 : i32
        %reduce_max3A_46 = arith.constant true
        %reduce_max3A_47 = vector.broadcast %reduce_max3A_46 : i1 to vector<16xi1>
        %reduce_max3A_48 = arith.constant -2147483648 : i32
        %reduce_max3A_49 = vector.broadcast %reduce_max3A_48 : i32 to vector<16xi32>
        %reduce_max3A_50 = arith.xori %scan3A_44#2, %reduce_max3A_49 : vector<16xi32>
        %reduce_max3A_51 = tpu.scan <max>, %reduce_max3A_50 masked %reduce_max3A_47 : vector<16xi32>, vector<16xi1> -> vector<16xi32>
        %reduce_max3A_52 = arith.xori %reduce_max3A_51, %reduce_max3A_49 : vector<16xi32>
        %reduce_max3A_53 = vector.extract %reduce_max3A_52[15] : i32 from vector<16xi32>
        %broadcast_in_dim3A_54 = vector.broadcast %reduce_max3A_53 : i32 to vector<16xi32>
        %broadcast_in_dim3A_55 = arith.constant 2048 : i32
        %broadcast_in_dim3A_56 = vector.broadcast %broadcast_in_dim3A_55 : i32 to vector<16xi32>
        %iota3A_57 = tpu.iota {dimensions = array<i32: 0>} : vector<16xi32>
        %eq3A = arith.constant 0 : i32
        %eq3A_58 = vector.broadcast %eq3A : i32 to vector<16xi32>
        %eq3A_59 = arith.cmpi eq, %iota3A_57, %eq3A_58 : vector<16xi32>
        tpu.vector_store_idx %arg12[%broadcast_in_dim3A_54], %broadcast_in_dim3A_56 masked %eq3A_59 : memref<2064xi32, #tpu.memory_space<vmem>>[vector<16xi32>], vector<16xi32>, vector<16xi1>
        %while3A = arith.constant 0 : i32
        %while3A_60 = arith.constant -1 : i32
        %while3A_61 = arith.subi %reduce_max3A_53, %while3A : i32
        %while3A_62 = arith.addi %while3A, %while3A_61 : i32
        %while3A_63 = arith.constant 1 : i32
        %while3A_64 = arith.divsi %while3A_61, %while3A_63 : i32
        %while3A_65 = arith.muli %while3A_64, %while3A_63 : i32
        %while3A_66 = arith.addi %while3A, %while3A_65 : i32
        %while3A_67 = arith.constant 1 : i32
        %while3A_68 = scf.for %while3A_161 = %while3A to %while3A_66 step %while3A_67 iter_args(%while3A_162 = %while3A_60) -> (i32)  : i32 {
          %broadcast_in_dim3A_163 = vector.broadcast %while3A_161 : i32 to vector<16xi32>
          %gather3A = tpu.vector_load_idx %arg12[%broadcast_in_dim3A_163] : memref<2064xi32, #tpu.memory_space<vmem>>[vector<16xi32>], vector<16xi32>,
          %reduce_max3A_164 = arith.constant true
          %reduce_max3A_165 = vector.broadcast %reduce_max3A_164 : i1 to vector<16xi1>
          %reduce_max3A_166 = arith.constant -2147483648 : i32
          %reduce_max3A_167 = vector.broadcast %reduce_max3A_166 : i32 to vector<16xi32>
          %reduce_max3A_168 = arith.xori %gather3A, %reduce_max3A_167 : vector<16xi32>
          %reduce_max3A_169 = tpu.scan <max>, %reduce_max3A_168 masked %reduce_max3A_165 : vector<16xi32>, vector<16xi1> -> vector<16xi32>
          %reduce_max3A_170 = arith.xori %reduce_max3A_169, %reduce_max3A_167 : vector<16xi32>
          %reduce_max3A_171 = vector.extract %reduce_max3A_170[15] : i32 from vector<16xi32>
          %add3A_172 = arith.constant 1 : i32
          %add3A_173 = arith.addi %while3A_161, %add3A_172 : i32
          %broadcast_in_dim3A_174 = vector.broadcast %add3A_173 : i32 to vector<16xi32>
          %gather3A_175 = tpu.vector_load_idx %arg12[%broadcast_in_dim3A_174] : memref<2064xi32, #tpu.memory_space<vmem>>[vector<16xi32>], vector<16xi32>,
          %reduce_max3A_176 = arith.constant true
          %reduce_max3A_177 = vector.broadcast %reduce_max3A_176 : i1 to vector<16xi1>
          %reduce_max3A_178 = arith.constant -2147483648 : i32
          %reduce_max3A_179 = vector.broadcast %reduce_max3A_178 : i32 to vector<16xi32>
          %reduce_max3A_180 = arith.xori %gather3A_175, %reduce_max3A_179 : vector<16xi32>
          %reduce_max3A_181 = tpu.scan <max>, %reduce_max3A_180 masked %reduce_max3A_177 : vector<16xi32>, vector<16xi1> -> vector<16xi32>
          %reduce_max3A_182 = arith.xori %reduce_max3A_181, %reduce_max3A_179 : vector<16xi32>
          %reduce_max3A_183 = vector.extract %reduce_max3A_182[15] : i32 from vector<16xi32>
          %sub3A_184 = arith.constant 1 : i32
          %sub3A_185 = arith.subi %reduce_max3A_183, %sub3A_184 : i32
          %broadcast_in_dim3A_186 = vector.broadcast %sub3A_185 : i32 to vector<16xi32>
          %gather3A_187 = tpu.vector_load_idx %arg11[%broadcast_in_dim3A_186] : memref<2048xf32, #tpu.memory_space<vmem>>[vector<16xi32>], vector<16xf32>,
          %reduce_max3A_188 = arith.constant true
          %reduce_max3A_189 = vector.broadcast %reduce_max3A_188 : i1 to vector<16xi1>
          %reduce_max3A_190 = tpu.scan <max>, %gather3A_187 masked %reduce_max3A_189 : vector<16xf32>, vector<16xi1> -> vector<16xf32>
          %reduce_max3A_191 = vector.extract %reduce_max3A_190[15] : f32 from vector<16xf32>
          %gt3A_192 = arith.constant 0 : i32
          %gt3A_193 = arith.cmpi sgt, %reduce_max3A_171, %gt3A_192 : i32
          %sub3A_194 = arith.constant 1 : i32
          %sub3A_195 = arith.subi %reduce_max3A_171, %sub3A_194 : i32
          %max3A_196 = arith.constant 0 : i32
          %max3A_197 = arith.maxsi %sub3A_195, %max3A_196 : i32
          %broadcast_in_dim3A_198 = vector.broadcast %max3A_197 : i32 to vector<16xi32>
          %gather3A_199 = tpu.vector_load_idx %arg11[%broadcast_in_dim3A_198] : memref<2048xf32, #tpu.memory_space<vmem>>[vector<16xi32>], vector<16xf32>,
          %reduce_max3A_200 = arith.constant true
          %reduce_max3A_201 = vector.broadcast %reduce_max3A_200 : i1 to vector<16xi1>
          %reduce_max3A_202 = tpu.scan <max>, %gather3A_199 masked %reduce_max3A_201 : vector<16xf32>, vector<16xi1> -> vector<16xf32>
          %reduce_max3A_203 = vector.extract %reduce_max3A_202[15] : f32 from vector<16xf32>
          %jit3A = arith.constant 0.000000e+00 : f32
          %select_n3A = arith.select %gt3A_193, %reduce_max3A_203, %jit3A : f32
          %sub3A_204 = arith.subf %reduce_max3A_191, %select_n3A : f32
          %sub3A_205 = arith.subi %reduce_max3A_183, %reduce_max3A_171 : i32
          %convert_element_type3A_206 = arith.sitofp %sub3A_205 : i32 to f32
          %broadcast_in_dim3A_207 = vector.broadcast %sub3A_204 : f32 to vector<16xf32>
          %broadcast_in_dim3A_208 = vector.broadcast %convert_element_type3A_206 : f32 to vector<16xf32>
          %div3A_209 = arith.divf %broadcast_in_dim3A_207, %broadcast_in_dim3A_208 : vector<16xf32>
          %reduce_max3A_210 = arith.constant true
          %reduce_max3A_211 = vector.broadcast %reduce_max3A_210 : i1 to vector<16xi1>
          %reduce_max3A_212 = tpu.scan <max>, %div3A_209 masked %reduce_max3A_211 : vector<16xf32>, vector<16xi1> -> vector<16xf32>
          %reduce_max3A_213 = vector.extract %reduce_max3A_212[15] : f32 from vector<16xf32>
          %while3A_214 = arith.constant 1 : i32
          %while3A_215:6 = scf.while (%while3A_248 = %sub3A_204, %while3A_249 = %convert_element_type3A_206, %while3A_250 = %reduce_max3A_213, %while3A_251 = %while3A_214, %while3A_252 = %reduce_max3A_171, %while3A_253 = %while3A_162) : (f32, f32, f32, i32, i32, i32) -> (f32, f32, f32, i32, i32, i32) {
            %ge3A = arith.constant 0 : i32
            %ge3A_254 = arith.cmpi sge, %while3A_253, %ge3A : i32
            %max3A_255 = arith.constant 0 : i32
            %max3A_256 = arith.maxsi %while3A_253, %max3A_255 : i32
            %broadcast_in_dim3A_257 = vector.broadcast %max3A_256 : i32 to vector<16xi32>
            %gather3A_258 = tpu.vector_load_idx %arg19[%broadcast_in_dim3A_257] : memref<2048xf32, #tpu.memory_space<vmem>>[vector<16xi32>], vector<16xf32>,
            %reduce_max3A_259 = arith.constant true
            %reduce_max3A_260 = vector.broadcast %reduce_max3A_259 : i1 to vector<16xi1>
            %reduce_max3A_261 = tpu.scan <max>, %gather3A_258 masked %reduce_max3A_260 : vector<16xf32>, vector<16xi1> -> vector<16xf32>
            %reduce_max3A_262 = vector.extract %reduce_max3A_261[15] : f32 from vector<16xf32>
            %le3A = arith.cmpf ole, %reduce_max3A_262, %while3A_250 : f32
            %and3A = arith.andi %ge3A_254, %le3A : i1
            scf.condition(%and3A) %while3A_248, %while3A_249, %while3A_250, %while3A_251, %while3A_252, %while3A_253 : f32, f32, f32, i32, i32, i32
          } do {
          ^bb0(%while3A_248: f32, %while3A_249: f32, %while3A_250: f32, %while3A_251: i32, %while3A_252: i32, %while3A_253: i32):
            %broadcast_in_dim3A_254 = vector.broadcast %while3A_253 : i32 to vector<16xi32>
            %gather3A_255 = tpu.vector_load_idx %arg17[%broadcast_in_dim3A_254] : memref<2048xf32, #tpu.memory_space<vmem>>[vector<16xi32>], vector<16xf32>,
            %reduce_max3A_256 = arith.constant true
            %reduce_max3A_257 = vector.broadcast %reduce_max3A_256 : i1 to vector<16xi1>
            %reduce_max3A_258 = tpu.scan <max>, %gather3A_255 masked %reduce_max3A_257 : vector<16xf32>, vector<16xi1> -> vector<16xf32>
            %reduce_max3A_259 = vector.extract %reduce_max3A_258[15] : f32 from vector<16xf32>
            %add3A_260 = arith.addf %while3A_248, %reduce_max3A_259 : f32
            %broadcast_in_dim3A_261 = vector.broadcast %while3A_253 : i32 to vector<16xi32>
            %gather3A_262 = tpu.vector_load_idx %arg18[%broadcast_in_dim3A_261] : memref<2048xf32, #tpu.memory_space<vmem>>[vector<16xi32>], vector<16xf32>,
            %reduce_max3A_263 = arith.constant true
            %reduce_max3A_264 = vector.broadcast %reduce_max3A_263 : i1 to vector<16xi1>
            %reduce_max3A_265 = tpu.scan <max>, %gather3A_262 masked %reduce_max3A_264 : vector<16xf32>, vector<16xi1> -> vector<16xf32>
            %reduce_max3A_266 = vector.extract %reduce_max3A_265[15] : f32 from vector<16xf32>
            %add3A_267 = arith.addf %while3A_249, %reduce_max3A_266 : f32
            %broadcast_in_dim3A_268 = vector.broadcast %add3A_260 : f32 to vector<16xf32>
            %broadcast_in_dim3A_269 = vector.broadcast %add3A_267 : f32 to vector<16xf32>
            %div3A_270 = arith.divf %broadcast_in_dim3A_268, %broadcast_in_dim3A_269 : vector<16xf32>
            %reduce_max3A_271 = arith.constant true
            %reduce_max3A_272 = vector.broadcast %reduce_max3A_271 : i1 to vector<16xi1>
            %reduce_max3A_273 = tpu.scan <max>, %div3A_270 masked %reduce_max3A_272 : vector<16xf32>, vector<16xi1> -> vector<16xf32>
            %reduce_max3A_274 = vector.extract %reduce_max3A_273[15] : f32 from vector<16xf32>
            %broadcast_in_dim3A_275 = vector.broadcast %while3A_253 : i32 to vector<16xi32>
            %gather3A_276 = tpu.vector_load_idx %arg20[%broadcast_in_dim3A_275] : memref<2048xi32, #tpu.memory_space<vmem>>[vector<16xi32>], vector<16xi32>,
            %reduce_max3A_277 = arith.constant true
            %reduce_max3A_278 = vector.broadcast %reduce_max3A_277 : i1 to vector<16xi1>
            %reduce_max3A_279 = arith.constant -2147483648 : i32
            %reduce_max3A_280 = vector.broadcast %reduce_max3A_279 : i32 to vector<16xi32>
            %reduce_max3A_281 = arith.xori %gather3A_276, %reduce_max3A_280 : vector<16xi32>
            %reduce_max3A_282 = tpu.scan <max>, %reduce_max3A_281 masked %reduce_max3A_278 : vector<16xi32>, vector<16xi1> -> vector<16xi32>
            %reduce_max3A_283 = arith.xori %reduce_max3A_282, %reduce_max3A_280 : vector<16xi32>
            %reduce_max3A_284 = vector.extract %reduce_max3A_283[15] : i32 from vector<16xi32>
            %add3A_285 = arith.addi %while3A_251, %reduce_max3A_284 : i32
            %broadcast_in_dim3A_286 = vector.broadcast %while3A_253 : i32 to vector<16xi32>
            %gather3A_287 = tpu.vector_load_idx %arg21[%broadcast_in_dim3A_286] : memref<2048xi32, #tpu.memory_space<vmem>>[vector<16xi32>], vector<16xi32>,
            %reduce_max3A_288 = arith.constant true
            %reduce_max3A_289 = vector.broadcast %reduce_max3A_288 : i1 to vector<16xi1>
            %reduce_max3A_290 = arith.constant -2147483648 : i32
            %reduce_max3A_291 = vector.broadcast %reduce_max3A_290 : i32 to vector<16xi32>
            %reduce_max3A_292 = arith.xori %gather3A_287, %reduce_max3A_291 : vector<16xi32>
            %reduce_max3A_293 = tpu.scan <max>, %reduce_max3A_292 masked %reduce_max3A_289 : vector<16xi32>, vector<16xi1> -> vector<16xi32>
            %reduce_max3A_294 = arith.xori %reduce_max3A_293, %reduce_max3A_291 : vector<16xi32>
            %reduce_max3A_295 = vector.extract %reduce_max3A_294[15] : i32 from vector<16xi32>
            %sub3A_296 = arith.constant 1 : i32
            %sub3A_297 = arith.subi %while3A_253, %sub3A_296 : i32
            scf.yield %add3A_260, %add3A_267, %reduce_max3A_274, %add3A_285, %reduce_max3A_295, %sub3A_297 : f32, f32, f32, i32, i32, i32
          }
          %add3A_216 = arith.constant 1 : i32
          %add3A_217 = arith.addi %while3A_215#5, %add3A_216 : i32
          %broadcast_in_dim3A_218 = vector.broadcast %add3A_217 : i32 to vector<16xi32>
          %broadcast_in_dim3A_219 = vector.broadcast %while3A_215#0 : f32 to vector<16xf32>
          %iota3A_220 = tpu.iota {dimensions = array<i32: 0>} : vector<16xi32>
          %eq3A_221 = arith.constant 0 : i32
          %eq3A_222 = vector.broadcast %eq3A_221 : i32 to vector<16xi32>
          %eq3A_223 = arith.cmpi eq, %iota3A_220, %eq3A_222 : vector<16xi32>
          tpu.vector_store_idx %arg17[%broadcast_in_dim3A_218], %broadcast_in_dim3A_219 masked %eq3A_223 : memref<2048xf32, #tpu.memory_space<vmem>>[vector<16xi32>], vector<16xf32>, vector<16xi1>
          %broadcast_in_dim3A_224 = vector.broadcast %add3A_217 : i32 to vector<16xi32>
          %broadcast_in_dim3A_225 = vector.broadcast %while3A_215#1 : f32 to vector<16xf32>
          %iota3A_226 = tpu.iota {dimensions = array<i32: 0>} : vector<16xi32>
          %eq3A_227 = arith.constant 0 : i32
          %eq3A_228 = vector.broadcast %eq3A_227 : i32 to vector<16xi32>
          %eq3A_229 = arith.cmpi eq, %iota3A_226, %eq3A_228 : vector<16xi32>
          tpu.vector_store_idx %arg18[%broadcast_in_dim3A_224], %broadcast_in_dim3A_225 masked %eq3A_229 : memref<2048xf32, #tpu.memory_space<vmem>>[vector<16xi32>], vector<16xf32>, vector<16xi1>
          %broadcast_in_dim3A_230 = vector.broadcast %add3A_217 : i32 to vector<16xi32>
          %broadcast_in_dim3A_231 = vector.broadcast %while3A_215#2 : f32 to vector<16xf32>
          %iota3A_232 = tpu.iota {dimensions = array<i32: 0>} : vector<16xi32>
          %eq3A_233 = arith.constant 0 : i32
          %eq3A_234 = vector.broadcast %eq3A_233 : i32 to vector<16xi32>
          %eq3A_235 = arith.cmpi eq, %iota3A_232, %eq3A_234 : vector<16xi32>
          tpu.vector_store_idx %arg19[%broadcast_in_dim3A_230], %broadcast_in_dim3A_231 masked %eq3A_235 : memref<2048xf32, #tpu.memory_space<vmem>>[vector<16xi32>], vector<16xf32>, vector<16xi1>
          %broadcast_in_dim3A_236 = vector.broadcast %add3A_217 : i32 to vector<16xi32>
          %broadcast_in_dim3A_237 = vector.broadcast %while3A_215#3 : i32 to vector<16xi32>
          %iota3A_238 = tpu.iota {dimensions = array<i32: 0>} : vector<16xi32>
          %eq3A_239 = arith.constant 0 : i32
          %eq3A_240 = vector.broadcast %eq3A_239 : i32 to vector<16xi32>
          %eq3A_241 = arith.cmpi eq, %iota3A_238, %eq3A_240 : vector<16xi32>
          tpu.vector_store_idx %arg20[%broadcast_in_dim3A_236], %broadcast_in_dim3A_237 masked %eq3A_241 : memref<2048xi32, #tpu.memory_space<vmem>>[vector<16xi32>], vector<16xi32>, vector<16xi1>
          %broadcast_in_dim3A_242 = vector.broadcast %add3A_217 : i32 to vector<16xi32>
          %broadcast_in_dim3A_243 = vector.broadcast %while3A_215#4 : i32 to vector<16xi32>
          %iota3A_244 = tpu.iota {dimensions = array<i32: 0>} : vector<16xi32>
          %eq3A_245 = arith.constant 0 : i32
          %eq3A_246 = vector.broadcast %eq3A_245 : i32 to vector<16xi32>
          %eq3A_247 = arith.cmpi eq, %iota3A_244, %eq3A_246 : vector<16xi32>
          tpu.vector_store_idx %arg21[%broadcast_in_dim3A_242], %broadcast_in_dim3A_243 masked %eq3A_247 : memref<2048xi32, #tpu.memory_space<vmem>>[vector<16xi32>], vector<16xi32>, vector<16xi1>
          scf.yield %add3A_217 : i32
        }
        %while3A_69 = arith.constant 1 : i32
        %while3A_70 = scf.for %while3A_161 = %while3A_66 to %while3A_62 step %while3A_69 iter_args(%while3A_162 = %while3A_68) -> (i32)  : i32 {
          %broadcast_in_dim3A_163 = vector.broadcast %while3A_161 : i32 to vector<16xi32>
          %gather3A = tpu.vector_load_idx %arg12[%broadcast_in_dim3A_163] : memref<2064xi32, #tpu.memory_space<vmem>>[vector<16xi32>], vector<16xi32>,
          %reduce_max3A_164 = arith.constant true
          %reduce_max3A_165 = vector.broadcast %reduce_max3A_164 : i1 to vector<16xi1>
          %reduce_max3A_166 = arith.constant -2147483648 : i32
          %reduce_max3A_167 = vector.broadcast %reduce_max3A_166 : i32 to vector<16xi32>
          %reduce_max3A_168 = arith.xori %gather3A, %reduce_max3A_167 : vector<16xi32>
          %reduce_max3A_169 = tpu.scan <max>, %reduce_max3A_168 masked %reduce_max3A_165 : vector<16xi32>, vector<16xi1> -> vector<16xi32>
          %reduce_max3A_170 = arith.xori %reduce_max3A_169, %reduce_max3A_167 : vector<16xi32>
          %reduce_max3A_171 = vector.extract %reduce_max3A_170[15] : i32 from vector<16xi32>
          %add3A_172 = arith.constant 1 : i32
          %add3A_173 = arith.addi %while3A_161, %add3A_172 : i32
          %broadcast_in_dim3A_174 = vector.broadcast %add3A_173 : i32 to vector<16xi32>
          %gather3A_175 = tpu.vector_load_idx %arg12[%broadcast_in_dim3A_174] : memref<2064xi32, #tpu.memory_space<vmem>>[vector<16xi32>], vector<16xi32>,
          %reduce_max3A_176 = arith.constant true
          %reduce_max3A_177 = vector.broadcast %reduce_max3A_176 : i1 to vector<16xi1>
          %reduce_max3A_178 = arith.constant -2147483648 : i32
          %reduce_max3A_179 = vector.broadcast %reduce_max3A_178 : i32 to vector<16xi32>
          %reduce_max3A_180 = arith.xori %gather3A_175, %reduce_max3A_179 : vector<16xi32>
          %reduce_max3A_181 = tpu.scan <max>, %reduce_max3A_180 masked %reduce_max3A_177 : vector<16xi32>, vector<16xi1> -> vector<16xi32>
          %reduce_max3A_182 = arith.xori %reduce_max3A_181, %reduce_max3A_179 : vector<16xi32>
          %reduce_max3A_183 = vector.extract %reduce_max3A_182[15] : i32 from vector<16xi32>
          %sub3A_184 = arith.constant 1 : i32
          %sub3A_185 = arith.subi %reduce_max3A_183, %sub3A_184 : i32
          %broadcast_in_dim3A_186 = vector.broadcast %sub3A_185 : i32 to vector<16xi32>
          %gather3A_187 = tpu.vector_load_idx %arg11[%broadcast_in_dim3A_186] : memref<2048xf32, #tpu.memory_space<vmem>>[vector<16xi32>], vector<16xf32>,
          %reduce_max3A_188 = arith.constant true
          %reduce_max3A_189 = vector.broadcast %reduce_max3A_188 : i1 to vector<16xi1>
          %reduce_max3A_190 = tpu.scan <max>, %gather3A_187 masked %reduce_max3A_189 : vector<16xf32>, vector<16xi1> -> vector<16xf32>
          %reduce_max3A_191 = vector.extract %reduce_max3A_190[15] : f32 from vector<16xf32>
          %gt3A_192 = arith.constant 0 : i32
          %gt3A_193 = arith.cmpi sgt, %reduce_max3A_171, %gt3A_192 : i32
          %sub3A_194 = arith.constant 1 : i32
          %sub3A_195 = arith.subi %reduce_max3A_171, %sub3A_194 : i32
          %max3A_196 = arith.constant 0 : i32
          %max3A_197 = arith.maxsi %sub3A_195, %max3A_196 : i32
          %broadcast_in_dim3A_198 = vector.broadcast %max3A_197 : i32 to vector<16xi32>
          %gather3A_199 = tpu.vector_load_idx %arg11[%broadcast_in_dim3A_198] : memref<2048xf32, #tpu.memory_space<vmem>>[vector<16xi32>], vector<16xf32>,
          %reduce_max3A_200 = arith.constant true
          %reduce_max3A_201 = vector.broadcast %reduce_max3A_200 : i1 to vector<16xi1>
          %reduce_max3A_202 = tpu.scan <max>, %gather3A_199 masked %reduce_max3A_201 : vector<16xf32>, vector<16xi1> -> vector<16xf32>
          %reduce_max3A_203 = vector.extract %reduce_max3A_202[15] : f32 from vector<16xf32>
          %jit3A = arith.constant 0.000000e+00 : f32
          %select_n3A = arith.select %gt3A_193, %reduce_max3A_203, %jit3A : f32
          %sub3A_204 = arith.subf %reduce_max3A_191, %select_n3A : f32
          %sub3A_205 = arith.subi %reduce_max3A_183, %reduce_max3A_171 : i32
          %convert_element_type3A_206 = arith.sitofp %sub3A_205 : i32 to f32
          %broadcast_in_dim3A_207 = vector.broadcast %sub3A_204 : f32 to vector<16xf32>
          %broadcast_in_dim3A_208 = vector.broadcast %convert_element_type3A_206 : f32 to vector<16xf32>
          %div3A_209 = arith.divf %broadcast_in_dim3A_207, %broadcast_in_dim3A_208 : vector<16xf32>
          %reduce_max3A_210 = arith.constant true
          %reduce_max3A_211 = vector.broadcast %reduce_max3A_210 : i1 to vector<16xi1>
          %reduce_max3A_212 = tpu.scan <max>, %div3A_209 masked %reduce_max3A_211 : vector<16xf32>, vector<16xi1> -> vector<16xf32>
          %reduce_max3A_213 = vector.extract %reduce_max3A_212[15] : f32 from vector<16xf32>
          %while3A_214 = arith.constant 1 : i32
          %while3A_215:6 = scf.while (%while3A_248 = %sub3A_204, %while3A_249 = %convert_element_type3A_206, %while3A_250 = %reduce_max3A_213, %while3A_251 = %while3A_214, %while3A_252 = %reduce_max3A_171, %while3A_253 = %while3A_162) : (f32, f32, f32, i32, i32, i32) -> (f32, f32, f32, i32, i32, i32) {
            %ge3A = arith.constant 0 : i32
            %ge3A_254 = arith.cmpi sge, %while3A_253, %ge3A : i32
            %max3A_255 = arith.constant 0 : i32
            %max3A_256 = arith.maxsi %while3A_253, %max3A_255 : i32
            %broadcast_in_dim3A_257 = vector.broadcast %max3A_256 : i32 to vector<16xi32>
            %gather3A_258 = tpu.vector_load_idx %arg19[%broadcast_in_dim3A_257] : memref<2048xf32, #tpu.memory_space<vmem>>[vector<16xi32>], vector<16xf32>,
            %reduce_max3A_259 = arith.constant true
            %reduce_max3A_260 = vector.broadcast %reduce_max3A_259 : i1 to vector<16xi1>
            %reduce_max3A_261 = tpu.scan <max>, %gather3A_258 masked %reduce_max3A_260 : vector<16xf32>, vector<16xi1> -> vector<16xf32>
            %reduce_max3A_262 = vector.extract %reduce_max3A_261[15] : f32 from vector<16xf32>
            %le3A = arith.cmpf ole, %reduce_max3A_262, %while3A_250 : f32
            %and3A = arith.andi %ge3A_254, %le3A : i1
            scf.condition(%and3A) %while3A_248, %while3A_249, %while3A_250, %while3A_251, %while3A_252, %while3A_253 : f32, f32, f32, i32, i32, i32
          } do {
          ^bb0(%while3A_248: f32, %while3A_249: f32, %while3A_250: f32, %while3A_251: i32, %while3A_252: i32, %while3A_253: i32):
            %broadcast_in_dim3A_254 = vector.broadcast %while3A_253 : i32 to vector<16xi32>
            %gather3A_255 = tpu.vector_load_idx %arg17[%broadcast_in_dim3A_254] : memref<2048xf32, #tpu.memory_space<vmem>>[vector<16xi32>], vector<16xf32>,
            %reduce_max3A_256 = arith.constant true
            %reduce_max3A_257 = vector.broadcast %reduce_max3A_256 : i1 to vector<16xi1>
            %reduce_max3A_258 = tpu.scan <max>, %gather3A_255 masked %reduce_max3A_257 : vector<16xf32>, vector<16xi1> -> vector<16xf32>
            %reduce_max3A_259 = vector.extract %reduce_max3A_258[15] : f32 from vector<16xf32>
            %add3A_260 = arith.addf %while3A_248, %reduce_max3A_259 : f32
            %broadcast_in_dim3A_261 = vector.broadcast %while3A_253 : i32 to vector<16xi32>
            %gather3A_262 = tpu.vector_load_idx %arg18[%broadcast_in_dim3A_261] : memref<2048xf32, #tpu.memory_space<vmem>>[vector<16xi32>], vector<16xf32>,
            %reduce_max3A_263 = arith.constant true
            %reduce_max3A_264 = vector.broadcast %reduce_max3A_263 : i1 to vector<16xi1>
            %reduce_max3A_265 = tpu.scan <max>, %gather3A_262 masked %reduce_max3A_264 : vector<16xf32>, vector<16xi1> -> vector<16xf32>
            %reduce_max3A_266 = vector.extract %reduce_max3A_265[15] : f32 from vector<16xf32>
            %add3A_267 = arith.addf %while3A_249, %reduce_max3A_266 : f32
            %broadcast_in_dim3A_268 = vector.broadcast %add3A_260 : f32 to vector<16xf32>
            %broadcast_in_dim3A_269 = vector.broadcast %add3A_267 : f32 to vector<16xf32>
            %div3A_270 = arith.divf %broadcast_in_dim3A_268, %broadcast_in_dim3A_269 : vector<16xf32>
            %reduce_max3A_271 = arith.constant true
            %reduce_max3A_272 = vector.broadcast %reduce_max3A_271 : i1 to vector<16xi1>
            %reduce_max3A_273 = tpu.scan <max>, %div3A_270 masked %reduce_max3A_272 : vector<16xf32>, vector<16xi1> -> vector<16xf32>
            %reduce_max3A_274 = vector.extract %reduce_max3A_273[15] : f32 from vector<16xf32>
            %broadcast_in_dim3A_275 = vector.broadcast %while3A_253 : i32 to vector<16xi32>
            %gather3A_276 = tpu.vector_load_idx %arg20[%broadcast_in_dim3A_275] : memref<2048xi32, #tpu.memory_space<vmem>>[vector<16xi32>], vector<16xi32>,
            %reduce_max3A_277 = arith.constant true
            %reduce_max3A_278 = vector.broadcast %reduce_max3A_277 : i1 to vector<16xi1>
            %reduce_max3A_279 = arith.constant -2147483648 : i32
            %reduce_max3A_280 = vector.broadcast %reduce_max3A_279 : i32 to vector<16xi32>
            %reduce_max3A_281 = arith.xori %gather3A_276, %reduce_max3A_280 : vector<16xi32>
            %reduce_max3A_282 = tpu.scan <max>, %reduce_max3A_281 masked %reduce_max3A_278 : vector<16xi32>, vector<16xi1> -> vector<16xi32>
            %reduce_max3A_283 = arith.xori %reduce_max3A_282, %reduce_max3A_280 : vector<16xi32>
            %reduce_max3A_284 = vector.extract %reduce_max3A_283[15] : i32 from vector<16xi32>
            %add3A_285 = arith.addi %while3A_251, %reduce_max3A_284 : i32
            %broadcast_in_dim3A_286 = vector.broadcast %while3A_253 : i32 to vector<16xi32>
            %gather3A_287 = tpu.vector_load_idx %arg21[%broadcast_in_dim3A_286] : memref<2048xi32, #tpu.memory_space<vmem>>[vector<16xi32>], vector<16xi32>,
            %reduce_max3A_288 = arith.constant true
            %reduce_max3A_289 = vector.broadcast %reduce_max3A_288 : i1 to vector<16xi1>
            %reduce_max3A_290 = arith.constant -2147483648 : i32
            %reduce_max3A_291 = vector.broadcast %reduce_max3A_290 : i32 to vector<16xi32>
            %reduce_max3A_292 = arith.xori %gather3A_287, %reduce_max3A_291 : vector<16xi32>
            %reduce_max3A_293 = tpu.scan <max>, %reduce_max3A_292 masked %reduce_max3A_289 : vector<16xi32>, vector<16xi1> -> vector<16xi32>
            %reduce_max3A_294 = arith.xori %reduce_max3A_293, %reduce_max3A_291 : vector<16xi32>
            %reduce_max3A_295 = vector.extract %reduce_max3A_294[15] : i32 from vector<16xi32>
            %sub3A_296 = arith.constant 1 : i32
            %sub3A_297 = arith.subi %while3A_253, %sub3A_296 : i32
            scf.yield %add3A_260, %add3A_267, %reduce_max3A_274, %add3A_285, %reduce_max3A_295, %sub3A_297 : f32, f32, f32, i32, i32, i32
          }
          %add3A_216 = arith.constant 1 : i32
          %add3A_217 = arith.addi %while3A_215#5, %add3A_216 : i32
          %broadcast_in_dim3A_218 = vector.broadcast %add3A_217 : i32 to vector<16xi32>
          %broadcast_in_dim3A_219 = vector.broadcast %while3A_215#0 : f32 to vector<16xf32>
          %iota3A_220 = tpu.iota {dimensions = array<i32: 0>} : vector<16xi32>
          %eq3A_221 = arith.constant 0 : i32
          %eq3A_222 = vector.broadcast %eq3A_221 : i32 to vector<16xi32>
          %eq3A_223 = arith.cmpi eq, %iota3A_220, %eq3A_222 : vector<16xi32>
          tpu.vector_store_idx %arg17[%broadcast_in_dim3A_218], %broadcast_in_dim3A_219 masked %eq3A_223 : memref<2048xf32, #tpu.memory_space<vmem>>[vector<16xi32>], vector<16xf32>, vector<16xi1>
          %broadcast_in_dim3A_224 = vector.broadcast %add3A_217 : i32 to vector<16xi32>
          %broadcast_in_dim3A_225 = vector.broadcast %while3A_215#1 : f32 to vector<16xf32>
          %iota3A_226 = tpu.iota {dimensions = array<i32: 0>} : vector<16xi32>
          %eq3A_227 = arith.constant 0 : i32
          %eq3A_228 = vector.broadcast %eq3A_227 : i32 to vector<16xi32>
          %eq3A_229 = arith.cmpi eq, %iota3A_226, %eq3A_228 : vector<16xi32>
          tpu.vector_store_idx %arg18[%broadcast_in_dim3A_224], %broadcast_in_dim3A_225 masked %eq3A_229 : memref<2048xf32, #tpu.memory_space<vmem>>[vector<16xi32>], vector<16xf32>, vector<16xi1>
          %broadcast_in_dim3A_230 = vector.broadcast %add3A_217 : i32 to vector<16xi32>
          %broadcast_in_dim3A_231 = vector.broadcast %while3A_215#2 : f32 to vector<16xf32>
          %iota3A_232 = tpu.iota {dimensions = array<i32: 0>} : vector<16xi32>
          %eq3A_233 = arith.constant 0 : i32
          %eq3A_234 = vector.broadcast %eq3A_233 : i32 to vector<16xi32>
          %eq3A_235 = arith.cmpi eq, %iota3A_232, %eq3A_234 : vector<16xi32>
          tpu.vector_store_idx %arg19[%broadcast_in_dim3A_230], %broadcast_in_dim3A_231 masked %eq3A_235 : memref<2048xf32, #tpu.memory_space<vmem>>[vector<16xi32>], vector<16xf32>, vector<16xi1>
          %broadcast_in_dim3A_236 = vector.broadcast %add3A_217 : i32 to vector<16xi32>
          %broadcast_in_dim3A_237 = vector.broadcast %while3A_215#3 : i32 to vector<16xi32>
          %iota3A_238 = tpu.iota {dimensions = array<i32: 0>} : vector<16xi32>
          %eq3A_239 = arith.constant 0 : i32
          %eq3A_240 = vector.broadcast %eq3A_239 : i32 to vector<16xi32>
          %eq3A_241 = arith.cmpi eq, %iota3A_238, %eq3A_240 : vector<16xi32>
          tpu.vector_store_idx %arg20[%broadcast_in_dim3A_236], %broadcast_in_dim3A_237 masked %eq3A_241 : memref<2048xi32, #tpu.memory_space<vmem>>[vector<16xi32>], vector<16xi32>, vector<16xi1>
          %broadcast_in_dim3A_242 = vector.broadcast %add3A_217 : i32 to vector<16xi32>
          %broadcast_in_dim3A_243 = vector.broadcast %while3A_215#4 : i32 to vector<16xi32>
          %iota3A_244 = tpu.iota {dimensions = array<i32: 0>} : vector<16xi32>
          %eq3A_245 = arith.constant 0 : i32
          %eq3A_246 = vector.broadcast %eq3A_245 : i32 to vector<16xi32>
          %eq3A_247 = arith.cmpi eq, %iota3A_244, %eq3A_246 : vector<16xi32>
          tpu.vector_store_idx %arg21[%broadcast_in_dim3A_242], %broadcast_in_dim3A_243 masked %eq3A_247 : memref<2048xi32, #tpu.memory_space<vmem>>[vector<16xi32>], vector<16xi32>, vector<16xi1>
          scf.yield %add3A_217 : i32
        }
        %scan3A_71 = arith.constant 0 : i32
        %scan3A_72 = arith.constant 0 : i32
        %scan3A_73 = arith.constant 128 : i32
        %scan3A_74 = arith.addi %scan3A_72, %scan3A_73 : i32
        %scan3A_75 = arith.constant 1 : i32
        %scan3A_76 = scf.for %scan3A_161 = %scan3A_72 to %scan3A_74 step %scan3A_75 iter_args(%scan3A_162 = %scan3A_71) -> (i32)  : i32 {
          %mul3A_163 = arith.constant 16 : i32
          %mul3A_164 = arith.muli %scan3A_161, %mul3A_163 : i32
          %swap3A = arith.index_cast %mul3A_164 : i32 to index
          %swap3A_165 = tpu.vector_load %arg13[%swap3A] {strides = array<i32>} : memref<2048xi32, #tpu.memory_space<vmem>>, vector<16xi32>,
          tpu.vector_store %arg13[%swap3A], %broadcast_in_dim3A_19 {strides = array<i32>} : memref<2048xi32, #tpu.memory_space<vmem>>, vector<16xi32>,
          %scan3A_166 = arith.constant 0 : i32
          scf.yield %scan3A_166 : i32
        }
        %scan3A_77 = arith.constant 128 : i32
        %add3A_78 = arith.constant 1 : i32
        %add3A_79 = arith.addi %while3A_70, %add3A_78 : i32
        %while3A_80 = arith.constant 1 : i32
        %while3A_81 = arith.constant 0 : i32
        %while3A_82 = arith.subi %add3A_79, %while3A_80 : i32
        %while3A_83 = arith.addi %while3A_80, %while3A_82 : i32
        %while3A_84 = arith.constant 1 : i32
        %while3A_85 = arith.divsi %while3A_82, %while3A_84 : i32
        %while3A_86 = arith.muli %while3A_85, %while3A_84 : i32
        %while3A_87 = arith.addi %while3A_80, %while3A_86 : i32
        %while3A_88 = arith.constant 1 : i32
        %while3A_89 = scf.for %while3A_161 = %while3A_80 to %while3A_87 step %while3A_88 iter_args(%while3A_162 = %while3A_81) -> (i32)  : i32 {
          %broadcast_in_dim3A_163 = vector.broadcast %while3A_161 : i32 to vector<16xi32>
          %gather3A = tpu.vector_load_idx %arg21[%broadcast_in_dim3A_163] : memref<2048xi32, #tpu.memory_space<vmem>>[vector<16xi32>], vector<16xi32>,
          %reduce_max3A_164 = arith.constant true
          %reduce_max3A_165 = vector.broadcast %reduce_max3A_164 : i1 to vector<16xi1>
          %reduce_max3A_166 = arith.constant -2147483648 : i32
          %reduce_max3A_167 = vector.broadcast %reduce_max3A_166 : i32 to vector<16xi32>
          %reduce_max3A_168 = arith.xori %gather3A, %reduce_max3A_167 : vector<16xi32>
          %reduce_max3A_169 = tpu.scan <max>, %reduce_max3A_168 masked %reduce_max3A_165 : vector<16xi32>, vector<16xi1> -> vector<16xi32>
          %reduce_max3A_170 = arith.xori %reduce_max3A_169, %reduce_max3A_167 : vector<16xi32>
          %reduce_max3A_171 = vector.extract %reduce_max3A_170[15] : i32 from vector<16xi32>
          %broadcast_in_dim3A_172 = vector.broadcast %reduce_max3A_171 : i32 to vector<16xi32>
          %broadcast_in_dim3A_173 = arith.constant 1 : i32
          %broadcast_in_dim3A_174 = vector.broadcast %broadcast_in_dim3A_173 : i32 to vector<16xi32>
          %iota3A_175 = tpu.iota {dimensions = array<i32: 0>} : vector<16xi32>
          %eq3A_176 = arith.constant 0 : i32
          %eq3A_177 = vector.broadcast %eq3A_176 : i32 to vector<16xi32>
          %eq3A_178 = arith.cmpi eq, %iota3A_175, %eq3A_177 : vector<16xi32>
          tpu.vector_store_idx %arg13[%broadcast_in_dim3A_172], %broadcast_in_dim3A_174 masked %eq3A_178 : memref<2048xi32, #tpu.memory_space<vmem>>[vector<16xi32>], vector<16xi32>, vector<16xi1>
          %while3A_179 = arith.constant 0 : i32
          scf.yield %while3A_179 : i32
        }
        %while3A_90 = arith.constant 1 : i32
        %while3A_91 = scf.for %while3A_161 = %while3A_87 to %while3A_83 step %while3A_90 iter_args(%while3A_162 = %while3A_89) -> (i32)  : i32 {
          %broadcast_in_dim3A_163 = vector.broadcast %while3A_161 : i32 to vector<16xi32>
          %gather3A = tpu.vector_load_idx %arg21[%broadcast_in_dim3A_163] : memref<2048xi32, #tpu.memory_space<vmem>>[vector<16xi32>], vector<16xi32>,
          %reduce_max3A_164 = arith.constant true
          %reduce_max3A_165 = vector.broadcast %reduce_max3A_164 : i1 to vector<16xi1>
          %reduce_max3A_166 = arith.constant -2147483648 : i32
          %reduce_max3A_167 = vector.broadcast %reduce_max3A_166 : i32 to vector<16xi32>
          %reduce_max3A_168 = arith.xori %gather3A, %reduce_max3A_167 : vector<16xi32>
          %reduce_max3A_169 = tpu.scan <max>, %reduce_max3A_168 masked %reduce_max3A_165 : vector<16xi32>, vector<16xi1> -> vector<16xi32>
          %reduce_max3A_170 = arith.xori %reduce_max3A_169, %reduce_max3A_167 : vector<16xi32>
          %reduce_max3A_171 = vector.extract %reduce_max3A_170[15] : i32 from vector<16xi32>
          %broadcast_in_dim3A_172 = vector.broadcast %reduce_max3A_171 : i32 to vector<16xi32>
          %broadcast_in_dim3A_173 = arith.constant 1 : i32
          %broadcast_in_dim3A_174 = vector.broadcast %broadcast_in_dim3A_173 : i32 to vector<16xi32>
          %iota3A_175 = tpu.iota {dimensions = array<i32: 0>} : vector<16xi32>
          %eq3A_176 = arith.constant 0 : i32
          %eq3A_177 = vector.broadcast %eq3A_176 : i32 to vector<16xi32>
          %eq3A_178 = arith.cmpi eq, %iota3A_175, %eq3A_177 : vector<16xi32>
          tpu.vector_store_idx %arg13[%broadcast_in_dim3A_172], %broadcast_in_dim3A_174 masked %eq3A_178 : memref<2048xi32, #tpu.memory_space<vmem>>[vector<16xi32>], vector<16xi32>, vector<16xi1>
          %while3A_179 = arith.constant 0 : i32
          scf.yield %while3A_179 : i32
        }
        %scan3A_92 = arith.constant 0 : i32
        %scan3A_93 = arith.constant 128 : i32
        %scan3A_94 = arith.addi %scan3A_92, %scan3A_93 : i32
        %scan3A_95 = arith.constant 1 : i32
        %scan3A_96 = scf.for %scan3A_161 = %scan3A_92 to %scan3A_94 step %scan3A_95 iter_args(%scan3A_162 = %broadcast_in_dim3A_19) -> (vector<16xi32>)  : i32 {
          %mul3A_163 = arith.constant 16 : i32
          %mul3A_164 = arith.muli %scan3A_161, %mul3A_163 : i32
          %get3A = arith.index_cast %mul3A_164 : i32 to index
          %get3A_165 = tpu.vector_load %arg13[%get3A] {strides = array<i32>} : memref<2048xi32, #tpu.memory_space<vmem>>, vector<16xi32>,
          %broadcast_in_dim3A_166 = arith.constant true
          %broadcast_in_dim3A_167 = vector.broadcast %broadcast_in_dim3A_166 : i1 to vector<16xi1>
          %masked_cumsum3A = tpu.scan <sum>, %get3A_165 masked %broadcast_in_dim3A_167 : vector<16xi32>, vector<16xi1> -> vector<16xi32>
          %add3A_168 = arith.addi %masked_cumsum3A, %scan3A_162 : vector<16xi32>
          %mul3A_169 = arith.constant 16 : i32
          %mul3A_170 = arith.muli %scan3A_161, %mul3A_169 : i32
          %swap3A = arith.index_cast %mul3A_170 : i32 to index
          %swap3A_171 = tpu.vector_load %arg13[%swap3A] {strides = array<i32>} : memref<2048xi32, #tpu.memory_space<vmem>>, vector<16xi32>,
          tpu.vector_store %arg13[%swap3A], %add3A_168 {strides = array<i32>} : memref<2048xi32, #tpu.memory_space<vmem>>, vector<16xi32>,
          %broadcast_in_dim3A_172 = arith.constant 15 : i32
          %broadcast_in_dim3A_173 = vector.broadcast %broadcast_in_dim3A_172 : i32 to vector<16xi32>
          %broadcast_in_dim3A_174 = vector.shape_cast %broadcast_in_dim3A_173 : vector<16xi32> to vector<16x1xi32>
          %gather3A = vector.shape_cast %broadcast_in_dim3A_174 : vector<16x1xi32> to vector<16xi32>
          %gather3A_175 = tpu.dynamic_gather %masked_cumsum3A[%gather3A] in [0] : vector<16xi32>, vector<16xi32> -> vector<16xi32>
          %add3A_176 = arith.addi %scan3A_162, %gather3A_175 : vector<16xi32>
          scf.yield %add3A_176 : vector<16xi32>
        }
        %scan3A_97 = arith.constant 128 : i32
        %scan3A_98 = arith.constant 0 : i32
        %scan3A_99 = arith.constant 0 : i32
        %scan3A_100 = arith.constant 129 : i32
        %scan3A_101 = arith.addi %scan3A_99, %scan3A_100 : i32
        %scan3A_102 = arith.constant 1 : i32
        %scan3A_103 = scf.for %scan3A_161 = %scan3A_99 to %scan3A_101 step %scan3A_102 iter_args(%scan3A_162 = %scan3A_98) -> (i32)  : i32 {
          %broadcast_in_dim3A_163 = arith.constant 0.000000e+00 : f32
          %broadcast_in_dim3A_164 = vector.broadcast %broadcast_in_dim3A_163 : f32 to vector<16xf32>
          %mul3A_165 = arith.constant 16 : i32
          %mul3A_166 = arith.muli %scan3A_161, %mul3A_165 : i32
          %swap3A = arith.index_cast %mul3A_166 : i32 to index
          %swap3A_167 = tpu.vector_load %arg15[%swap3A] {strides = array<i32>} : memref<2064xf32, #tpu.memory_space<vmem>>, vector<16xf32>,
          tpu.vector_store %arg15[%swap3A], %broadcast_in_dim3A_164 {strides = array<i32>} : memref<2064xf32, #tpu.memory_space<vmem>>, vector<16xf32>,
          %scan3A_168 = arith.constant 0 : i32
          scf.yield %scan3A_168 : i32
        }
        %scan3A_104 = arith.constant 129 : i32
        %scan3A_105 = arith.constant 0 : i32
        %scan3A_106 = arith.constant 128 : i32
        %scan3A_107 = arith.addi %scan3A_105, %scan3A_106 : i32
        %scan3A_108 = arith.constant 1 : i32
        %scan3A_109:2 = scf.for %scan3A_161 = %scan3A_105 to %scan3A_107 step %scan3A_108 iter_args(%scan3A_162 = %broadcast_in_dim3A_19, %scan3A_163 = %broadcast_in_dim3A_19) -> (vector<16xi32>, vector<16xi32>)  : i32 {
          %mul3A_164 = arith.constant 16 : i32
          %mul3A_165 = arith.muli %scan3A_161, %mul3A_164 : i32
          %get3A = arith.index_cast %mul3A_165 : i32 to index
          %get3A_166 = tpu.vector_load %arg13[%get3A] {strides = array<i32>} : memref<2048xi32, #tpu.memory_space<vmem>>, vector<16xi32>,
          %gather3A = tpu.vector_load_idx %arg19[%get3A_166] : memref<2048xf32, #tpu.memory_space<vmem>>[vector<16xi32>], vector<16xf32>,
          %max3A_167 = arith.constant 0.000000e+00 : f32
          %max3A_168 = vector.broadcast %max3A_167 : f32 to vector<16xf32>
          %max3A_169 = arith.maximumf %gather3A, %max3A_168 : vector<16xf32>
          %mul3A_170 = arith.constant 16 : i32
          %mul3A_171 = arith.muli %scan3A_161, %mul3A_170 : i32
          %swap3A = arith.index_cast %mul3A_171 : i32 to index
          %swap3A_172 = tpu.vector_load %arg22[%swap3A] {strides = array<i32>} : memref<2048xf32, #tpu.memory_space<vmem>>, vector<16xf32>,
          tpu.vector_store %arg22[%swap3A], %max3A_169 {strides = array<i32>} : memref<2048xf32, #tpu.memory_space<vmem>>, vector<16xf32>,
          %mul3A_173 = arith.constant 16 : i32
          %mul3A_174 = arith.muli %scan3A_161, %mul3A_173 : i32
          %get3A_175 = arith.index_cast %mul3A_174 : i32 to index
          %get3A_176 = tpu.vector_load %arg14[%get3A_175] {strides = array<i32>} : memref<2048xf32, #tpu.memory_space<vmem>>, vector<16xf32>,
          %gt3A_177 = arith.constant 0.000000e+00 : f32
          %gt3A_178 = vector.broadcast %gt3A_177 : f32 to vector<16xf32>
          %gt3A_179 = arith.cmpf ogt, %get3A_176, %gt3A_178 : vector<16xf32>
          %lt3A_180 = arith.constant 0.000000e+00 : f32
          %lt3A_181 = vector.broadcast %lt3A_180 : f32 to vector<16xf32>
          %lt3A_182 = arith.cmpf olt, %get3A_176, %lt3A_181 : vector<16xf32>
          %convert_element_type3A_183 = arith.extui %gt3A_179 : vector<16xi1> to vector<16xi32>
          %convert_element_type3A_184 = arith.extui %lt3A_182 : vector<16xi1> to vector<16xi32>
          %broadcast_in_dim3A_185 = arith.constant true
          %broadcast_in_dim3A_186 = vector.broadcast %broadcast_in_dim3A_185 : i1 to vector<16xi1>
          %masked_cumsum3A = tpu.scan <sum>, %convert_element_type3A_183 masked %broadcast_in_dim3A_186 : vector<16xi32>, vector<16xi1> -> vector<16xi32>
          %broadcast_in_dim3A_187 = arith.constant true
          %broadcast_in_dim3A_188 = vector.broadcast %broadcast_in_dim3A_187 : i1 to vector<16xi1>
          %masked_cumsum3A_189 = tpu.scan <sum>, %convert_element_type3A_184 masked %broadcast_in_dim3A_188 : vector<16xi32>, vector<16xi1> -> vector<16xi32>
          %add3A_190 = arith.addi %scan3A_162, %masked_cumsum3A : vector<16xi32>
          %sub3A_191 = arith.subi %add3A_190, %convert_element_type3A_183 : vector<16xi32>
          tpu.vector_store_idx %arg15[%sub3A_191], %max3A_169 masked %gt3A_179 : memref<2064xf32, #tpu.memory_space<vmem>>[vector<16xi32>], vector<16xf32>, vector<16xi1>
          %add3A_192 = arith.addi %scan3A_163, %masked_cumsum3A_189 : vector<16xi32>
          %sub3A_193 = arith.subi %add3A_192, %convert_element_type3A_184 : vector<16xi32>
          tpu.vector_store_idx %arg16[%sub3A_193], %max3A_169 masked %lt3A_182 : memref<2064xf32, #tpu.memory_space<vmem>>[vector<16xi32>], vector<16xf32>, vector<16xi1>
          %broadcast_in_dim3A_194 = arith.constant 15 : i32
          %broadcast_in_dim3A_195 = vector.broadcast %broadcast_in_dim3A_194 : i32 to vector<16xi32>
          %broadcast_in_dim3A_196 = vector.shape_cast %broadcast_in_dim3A_195 : vector<16xi32> to vector<16x1xi32>
          %gather3A_197 = vector.shape_cast %broadcast_in_dim3A_196 : vector<16x1xi32> to vector<16xi32>
          %gather3A_198 = tpu.dynamic_gather %masked_cumsum3A[%gather3A_197] in [0] : vector<16xi32>, vector<16xi32> -> vector<16xi32>
          %add3A_199 = arith.addi %scan3A_162, %gather3A_198 : vector<16xi32>
          %broadcast_in_dim3A_200 = arith.constant 15 : i32
          %broadcast_in_dim3A_201 = vector.broadcast %broadcast_in_dim3A_200 : i32 to vector<16xi32>
          %broadcast_in_dim3A_202 = vector.shape_cast %broadcast_in_dim3A_201 : vector<16xi32> to vector<16x1xi32>
          %gather3A_203 = vector.shape_cast %broadcast_in_dim3A_202 : vector<16x1xi32> to vector<16xi32>
          %gather3A_204 = tpu.dynamic_gather %masked_cumsum3A_189[%gather3A_203] in [0] : vector<16xi32>, vector<16xi32> -> vector<16xi32>
          %add3A_205 = arith.addi %scan3A_163, %gather3A_204 : vector<16xi32>
          scf.yield %add3A_199, %add3A_205 : vector<16xi32>, vector<16xi32>
        }
        %scan3A_110 = arith.constant 128 : i32
        %reduce_max3A_111 = arith.constant true
        %reduce_max3A_112 = vector.broadcast %reduce_max3A_111 : i1 to vector<16xi1>
        %reduce_max3A_113 = arith.constant -2147483648 : i32
        %reduce_max3A_114 = vector.broadcast %reduce_max3A_113 : i32 to vector<16xi32>
        %reduce_max3A_115 = arith.xori %scan3A_109#1, %reduce_max3A_114 : vector<16xi32>
        %reduce_max3A_116 = tpu.scan <max>, %reduce_max3A_115 masked %reduce_max3A_112 : vector<16xi32>, vector<16xi1> -> vector<16xi32>
        %reduce_max3A_117 = arith.xori %reduce_max3A_116, %reduce_max3A_114 : vector<16xi32>
        %reduce_max3A_118 = vector.extract %reduce_max3A_117[15] : i32 from vector<16xi32>
        %sub3A = arith.constant 2048 : i32
        %sub3A_119 = arith.subi %sub3A, %reduce_max3A_118 : i32
        %scan3A_120 = arith.constant 0 : i32
        %scan3A_121 = arith.constant 0 : i32
        %scan3A_122 = arith.constant 128 : i32
        %scan3A_123 = arith.addi %scan3A_121, %scan3A_122 : i32
        %scan3A_124 = arith.constant 1 : i32
        %scan3A_125 = scf.for %scan3A_161 = %scan3A_121 to %scan3A_123 step %scan3A_124 iter_args(%scan3A_162 = %scan3A_120) -> (i32)  : i32 {
          %mul3A_163 = arith.constant 16 : i32
          %mul3A_164 = arith.muli %scan3A_161, %mul3A_163 : i32
          %add3A_165 = vector.broadcast %mul3A_164 : i32 to vector<16xi32>
          %add3A_166 = arith.addi %add3A_165, %iota3A : vector<16xi32>
          %lt3A_167 = vector.broadcast %reduce_max3A_118 : i32 to vector<16xi32>
          %lt3A_168 = arith.cmpi slt, %add3A_166, %lt3A_167 : vector<16xi32>
          %sub3A_169 = arith.constant 1 : i32
          %sub3A_170 = arith.subi %reduce_max3A_118, %sub3A_169 : i32
          %sub3A_171 = vector.broadcast %sub3A_170 : i32 to vector<16xi32>
          %sub3A_172 = arith.subi %sub3A_171, %add3A_166 : vector<16xi32>
          %max3A_173 = arith.constant 0 : i32
          %max3A_174 = vector.broadcast %max3A_173 : i32 to vector<16xi32>
          %max3A_175 = arith.maxsi %sub3A_172, %max3A_174 : vector<16xi32>
          %gather3A = tpu.vector_load_idx %arg16[%max3A_175] masked %lt3A_168 : memref<2064xf32, #tpu.memory_space<vmem>>[vector<16xi32>], vector<16xf32>, vector<16xi1>
          %add3A_176 = vector.broadcast %sub3A_119 : i32 to vector<16xi32>
          %add3A_177 = arith.addi %add3A_176, %add3A_166 : vector<16xi32>
          %min3A = arith.constant 2063 : i32
          %min3A_178 = vector.broadcast %min3A : i32 to vector<16xi32>
          %min3A_179 = arith.minsi %add3A_177, %min3A_178 : vector<16xi32>
          %neg3A = arith.constant 0.000000e+00 : f32
          %neg3A_180 = vector.broadcast %neg3A : f32 to vector<16xf32>
          %neg3A_181 = arith.subf %neg3A_180, %gather3A : vector<16xf32>
          tpu.vector_store_idx %arg15[%min3A_179], %neg3A_181 masked %lt3A_168 : memref<2064xf32, #tpu.memory_space<vmem>>[vector<16xi32>], vector<16xf32>, vector<16xi1>
          %scan3A_182 = arith.constant 0 : i32
          scf.yield %scan3A_182 : i32
        }
        %scan3A_126 = arith.constant 128 : i32
        %broadcast_in_dim3A_127 = arith.constant 0.000000e+00 : f32
        %broadcast_in_dim3A_128 = vector.broadcast %broadcast_in_dim3A_127 : f32 to vector<16xf32>
        %broadcast_in_dim3A_129 = arith.constant 0.000000e+00 : f32
        %broadcast_in_dim3A_130 = vector.broadcast %broadcast_in_dim3A_129 : f32 to vector<16xf32>
        %scan3A_131 = arith.constant 0 : i32
        %scan3A_132 = arith.constant 128 : i32
        %scan3A_133 = arith.addi %scan3A_131, %scan3A_132 : i32
        %scan3A_134 = arith.constant 1 : i32
        %scan3A_135:3 = scf.for %scan3A_161 = %scan3A_131 to %scan3A_133 step %scan3A_134 iter_args(%scan3A_162 = %broadcast_in_dim3A_128, %scan3A_163 = %broadcast_in_dim3A_19, %scan3A_164 = %broadcast_in_dim3A_130) -> (vector<16xf32>, vector<16xi32>, vector<16xf32>)  : i32 {
          %mul3A_165 = arith.constant 16 : i32
          %mul3A_166 = arith.muli %scan3A_161, %mul3A_165 : i32
          %get3A = arith.index_cast %mul3A_166 : i32 to index
          %get3A_167 = tpu.vector_load %arg15[%get3A] {strides = array<i32>} : memref<2064xf32, #tpu.memory_space<vmem>>, vector<16xf32>,
          %broadcast_in_dim3A_168 = arith.constant true
          %broadcast_in_dim3A_169 = vector.broadcast %broadcast_in_dim3A_168 : i1 to vector<16xi1>
          %masked_cumsum3A = tpu.scan <sum>, %get3A_167 masked %broadcast_in_dim3A_169 : vector<16xf32>, vector<16xi1> -> vector<16xf32>
          %add3A_170 = arith.addf %masked_cumsum3A, %scan3A_162 : vector<16xf32>
          %mul3A_171 = arith.constant 16 : i32
          %mul3A_172 = arith.muli %scan3A_161, %mul3A_171 : i32
          %add3A_173 = vector.broadcast %mul3A_172 : i32 to vector<16xi32>
          %add3A_174 = arith.addi %add3A_173, %iota3A : vector<16xi32>
          %add3A_175 = arith.constant 1 : i32
          %add3A_176 = vector.broadcast %add3A_175 : i32 to vector<16xi32>
          %add3A_177 = arith.addi %add3A_174, %add3A_176 : vector<16xi32>
          %convert_element_type3A_178 = arith.sitofp %add3A_177 : vector<16xi32> to vector<16xf32>
          %mul3A_179 = arith.mulf %convert_element_type3A_178, %get3A_167 : vector<16xf32>
          %add3A_180 = arith.constant 1.000000e+00 : f32
          %add3A_181 = vector.broadcast %add3A_180 : f32 to vector<16xf32>
          %add3A_182 = arith.addf %add3A_181, %mul3A_179 : vector<16xf32>
          %gt3A_183 = arith.cmpf ogt, %add3A_182, %add3A_170 : vector<16xf32>
          %broadcast_in_dim3A_184 = arith.constant 15 : i32
          %broadcast_in_dim3A_185 = vector.broadcast %broadcast_in_dim3A_184 : i32 to vector<16xi32>
          %broadcast_in_dim3A_186 = vector.shape_cast %broadcast_in_dim3A_185 : vector<16xi32> to vector<16x1xi32>
          %gather3A = vector.shape_cast %broadcast_in_dim3A_186 : vector<16x1xi32> to vector<16xi32>
          %gather3A_187 = tpu.dynamic_gather %masked_cumsum3A[%gather3A] in [0] : vector<16xf32>, vector<16xi32> -> vector<16xf32>
          %add3A_188 = arith.addf %scan3A_162, %gather3A_187 : vector<16xf32>
          %convert_element_type3A_189 = arith.extui %gt3A_183 : vector<16xi1> to vector<16xi32>
          %add3A_190 = arith.addi %scan3A_163, %convert_element_type3A_189 : vector<16xi32>
          %jit3A = arith.constant 0.000000e+00 : f32
          %broadcast_in_dim3A_191 = vector.broadcast %jit3A : f32 to vector<16xf32>
          %select_n3A = arith.select %gt3A_183, %get3A_167, %broadcast_in_dim3A_191 : vector<16xi1>, vector<16xf32>
          %add3A_192 = arith.addf %scan3A_164, %select_n3A : vector<16xf32>
          scf.yield %add3A_188, %add3A_190, %add3A_192 : vector<16xf32>, vector<16xi32>, vector<16xf32>
        }
        %scan3A_136 = arith.constant 128 : i32
        %reduce_sum3A = arith.constant true
        %reduce_sum3A_137 = vector.broadcast %reduce_sum3A : i1 to vector<16xi1>
        %reduce_sum3A_138 = tpu.scan <sum>, %scan3A_135#1 masked %reduce_sum3A_137 : vector<16xi32>, vector<16xi1> -> vector<16xi32>
        %reduce_sum3A_139 = vector.extract %reduce_sum3A_138[15] : i32 from vector<16xi32>
        %reduce_sum3A_140 = arith.constant true
        %reduce_sum3A_141 = vector.broadcast %reduce_sum3A_140 : i1 to vector<16xi1>
        %reduce_sum3A_142 = tpu.scan <sum>, %scan3A_135#2 masked %reduce_sum3A_141 : vector<16xf32>, vector<16xi1> -> vector<16xf32>
        %reduce_sum3A_143 = vector.extract %reduce_sum3A_142[15] : f32 from vector<16xf32>
        %sub3A_144 = arith.constant 1.000000e+00 : f32
        %sub3A_145 = arith.subf %reduce_sum3A_143, %sub3A_144 : f32
        %max3A = arith.constant 1 : i32
        %max3A_146 = arith.maxsi %reduce_sum3A_139, %max3A : i32
        %convert_element_type3A_147 = arith.sitofp %max3A_146 : i32 to f32
        %broadcast_in_dim3A_148 = vector.broadcast %sub3A_145 : f32 to vector<16xf32>
        %broadcast_in_dim3A_149 = vector.broadcast %convert_element_type3A_147 : f32 to vector<16xf32>
        %div3A = arith.divf %broadcast_in_dim3A_148, %broadcast_in_dim3A_149 : vector<16xf32>
        %reduce_max3A_150 = arith.constant true
        %reduce_max3A_151 = vector.broadcast %reduce_max3A_150 : i1 to vector<16xi1>
        %reduce_max3A_152 = tpu.scan <max>, %div3A masked %reduce_max3A_151 : vector<16xf32>, vector<16xi1> -> vector<16xf32>
        %reduce_max3A_153 = vector.extract %reduce_max3A_152[15] : f32 from vector<16xf32>
        %scan3A_154 = arith.constant 0 : i32
        %scan3A_155 = arith.constant 0 : i32
        %scan3A_156 = arith.constant 128 : i32
        %scan3A_157 = arith.addi %scan3A_155, %scan3A_156 : i32
        %scan3A_158 = arith.constant 1 : i32
        %scan3A_159 = scf.for %scan3A_161 = %scan3A_155 to %scan3A_157 step %scan3A_158 iter_args(%scan3A_162 = %scan3A_154) -> (i32)  : i32 {
          %mul3A_163 = arith.constant 16 : i32
          %mul3A_164 = arith.muli %scan3A_161, %mul3A_163 : i32
          %get3A = arith.index_cast %mul3A_164 : i32 to index
          %get3A_165 = tpu.vector_load %arg22[%get3A] {strides = array<i32>} : memref<2048xf32, #tpu.memory_space<vmem>>, vector<16xf32>,
          %mul3A_166 = arith.constant 16 : i32
          %mul3A_167 = arith.muli %scan3A_161, %mul3A_166 : i32
          %get3A_168 = arith.index_cast %mul3A_167 : i32 to index
          %get3A_169 = tpu.vector_load %arg14[%get3A_168] {strides = array<i32>} : memref<2048xf32, #tpu.memory_space<vmem>>, vector<16xf32>,
          %mul3A_170 = arith.constant 16 : i32
          %mul3A_171 = arith.muli %scan3A_161, %mul3A_170 : i32
          %get3A_172 = arith.index_cast %mul3A_171 : i32 to index
          %get3A_173 = tpu.vector_load %arg6[%get3A_172] {strides = array<i32>} : memref<2048xi32, #tpu.memory_space<vmem>>, vector<16xi32>,
          %mul3A_174 = arith.mulf %get3A_169, %get3A_165 : vector<16xf32>
          %sub3A_175 = vector.broadcast %reduce_max3A_153 : f32 to vector<16xf32>
          %sub3A_176 = arith.subf %mul3A_174, %sub3A_175 : vector<16xf32>
          %max3A_177 = arith.constant 0.000000e+00 : f32
          %max3A_178 = vector.broadcast %max3A_177 : f32 to vector<16xf32>
          %max3A_179 = arith.maximumf %sub3A_176, %max3A_178 : vector<16xf32>
          tpu.vector_store_idx %arg23[%get3A_173], %max3A_179 : memref<2048xf32, #tpu.memory_space<vmem>>[vector<16xi32>], vector<16xf32>,
          %scan3A_180 = arith.constant 0 : i32
          scf.yield %scan3A_180 : i32
        }
        %scan3A_160 = arith.constant 128 : i32
      } else {
      }
      "tpu.region"() ({
        %run_scoped3A = tpu.sem_alloc : memref<!tpu.dma_semaphore, #tpu.memory_space<semaphore_mem>>
        %dma_start3A = arith.constant 0 : i32
        %dma_start3A_18 = tpu.memref_slice %arg3[%add3A, %dma_start3A] : memref<8x2048xf32, #tpu.memory_space<hbm>> -> memref<1x2048xf32, #tpu.memory_space<hbm>>
        %dma_start3A_19 = tpu.memref_squeeze %dma_start3A_18 : memref<1x2048xf32, #tpu.memory_space<hbm>> -> memref<2048xf32, #tpu.memory_space<hbm>>
        %dma_start3A_20 = arith.constant 0 : i32
        %dma_start3A_21 = tpu.memref_slice %arg3[%add3A, %dma_start3A_20] : memref<8x2048xf32, #tpu.memory_space<hbm>> -> memref<1x2048xf32, #tpu.memory_space<hbm>>
        %dma_start3A_22 = tpu.memref_squeeze %dma_start3A_21 : memref<1x2048xf32, #tpu.memory_space<hbm>> -> memref<2048xf32, #tpu.memory_space<hbm>>
        tpu.enqueue_dma source(%arg23 : memref<2048xf32, #tpu.memory_space<vmem>>) target(%dma_start3A_22 : memref<2048xf32, #tpu.memory_space<hbm>>) target_semaphore(%run_scoped3A : memref<!tpu.dma_semaphore, #tpu.memory_space<semaphore_mem>>)
        %dma_wait3A = arith.constant 0 : i32
        %dma_wait3A_23 = tpu.memref_slice %arg3[%add3A, %dma_wait3A] : memref<8x2048xf32, #tpu.memory_space<hbm>> -> memref<1x2048xf32, #tpu.memory_space<hbm>>
        %dma_wait3A_24 = tpu.memref_squeeze %dma_wait3A_23 : memref<1x2048xf32, #tpu.memory_space<hbm>> -> memref<2048xf32, #tpu.memory_space<hbm>>
        %dma_wait3A_25 = arith.constant 0 : i32
        %dma_wait3A_26 = tpu.memref_slice %arg3[%add3A, %dma_wait3A_25] : memref<8x2048xf32, #tpu.memory_space<hbm>> -> memref<1x2048xf32, #tpu.memory_space<hbm>>
        %dma_wait3A_27 = tpu.memref_squeeze %dma_wait3A_26 : memref<1x2048xf32, #tpu.memory_space<hbm>> -> memref<2048xf32, #tpu.memory_space<hbm>>
        tpu.wait_dma2 semaphore(%run_scoped3A : memref<!tpu.dma_semaphore, #tpu.memory_space<semaphore_mem>>) src(%arg23 : memref<2048xf32, #tpu.memory_space<vmem>>) dst(%dma_wait3A_27 : memref<2048xf32, #tpu.memory_space<hbm>>)
        tpu.yield
      }) : () -> ()
    } else {
    }
    return
  }
}

</mosaic_0001>

<sc_bundles>
// kernel: kernel.3.cloned.1.call-start
scs
__scs_entry_jumppad:
0x0: {  	(pc) =	sbr.rel $0x88, $3  }
0x1: {  	(tag) =	ssettag $0x0;
	lr =	simm.s32 $0x1  }
0x2: {  	[smem:$0x3FA0] =	sst lr;
	_ =	strace $0xD0000000  }
0x3: {  	_ = 	snop  }
0x4: {  	_ = 	snop  }
0x5: {  	_ = 	snop  }
0x6: {  	_ = 	snop  }
0x7: {  	_ = 	snop  }
__scs_overlays_trampoline_lowered:
0x8: {  	[smem:$0x3FAF] =	sst s0  }
0x9: {  	[smem:$0x3FB0] =	sst s1  }
0xa: {  	[smem:$0x3FB1] =	sst s2  }
0xb: {  	[smem:$0x3FB2] =	sst s3  }
0xc: {  	[smem:$0x3FB3] =	sst s4  }
0xd: {  	[smem:$0x3FB4] =	sst s5  }
0xe: {  	[smem:$0x3FB5] =	sst s6  }
0xf: {  	[smem:$0x3FB6] =	sst s7  }
0x10: {  	[smem:$0x3FB7] =	sst s8  }
0x11: {  	[smem:$0x3FB8] =	sst s9;
	s0 =	simm.s32 @!p0 $0x0  }
0x12: {  	s1 =	sld [smem:$0x3F9E];
	s0 =	simm.s32 @p0 $0x1  }
0x13: {  	[smem:$0x3FB9] =	sst s0;
	s0 =	simm.s32 @!p1 $0x0  }
0x14: {  	s2 =	sld [smem:$0x3F9D];
	s0 =	simm.s32 @p1 $0x1  }
0x15: {  	[smem:$0x3FBA] =	sst s0;
	s0 =	simm.s32 @!p2 $0x0  }
0x16: {  	s3 =	sld [smem:$0x3FDB];
	s0 =	simm.s32 @p2 $0x1  }
0x17: {  	s4 =	simm.s32 $0x1BF5;
	[smem:$0x3FBC] =	sst s0  }
0x18: {  	s0 =	sld [smem:$0x3F9F];
	_ =	swait.ge [sflag:s4], $0x0  }
0x19: {  	s7 =	sld [smem:$0x3FA0]  }
0x1a: {  	s8 =	sadd.s32 $0xFFFFE003, lr  }
0x1b: {  	s9 =	sadd.s32 $0xFFFFFEF7, lr;
	s5 =	simm.s32 $0xFFFFFFFF;
	p2 =	slt.u32 s8, $0xFFFFF086  }
0x1c: {  	p1 =	slt.u32 s9, $0xF7A;
	s5 =	simm.s32 @!p2 $0x0  }
0x1d: {  	s5 =	simm.s32 @p1 $0x1;
	p0 =	seq.s32 s7, s2  }
0x1e: {  	s7 =	smul.u32 @!p0 $0xF7A, s2;
	p2 =	seq.s32 @!p0 s5, $0x0  }
0x1f: {  	s9 =	smul.u32 $0xF7A, s1;
	s8 =	simm.s32 @!p0 $0x1BF5;
	p2 =	por !p2, p0  }
0x20: {  	[sflag:s8] =	ssyncset.s32 @!p0 $0xFFFFF086;
	s6 =	sadd.s32 @!p0 s3, s7;
	s7 =	simm.s32 @!p0 $0x108  }
0x21: {  	s3 =	sadd.s32 s3, s9;
	s6 =	sadd.s32 @!p0 $0x88, s6;
	s7 =	simm.s32 @p2 $0x1082  }
0x22: {  	[simem:s7], [sflag:s8] =	dma.local @!p0 [hbm:s6], $0xF7A  }
0x23: {  	s9 =	sor.u32 $0xD0000000, s2;
	s6 =	simm.s32 $0x108;
	_ =	swait.ge @!p0 [sflag:s8], $0x0  }
0x24: {  	s3 =	sadd.s32 $0x88, s3;
	s6 =	simm.s32 @!p1 $0x1082;
	[sflag:s4] =	ssyncset.s32 $0xFFFFF086  }
0x25: {  	[simem:s6], [sflag:s4] =	dma.local [hbm:s3], $0xF7A  }
0x26: {  	[smem:$0x3FA0] =	sst s1;
	(tag) =	ssettag s2;
	_ =	strace s9  }
0x27: {  	s1 =	sld [smem:$0x3FB0]  }
0x28: {  	s2 =	sld [smem:$0x3FB1]  }
0x29: {  	s4 =	sld [smem:$0x3FB3]  }
0x2a: {  	p0 =	seq.s32 s5, $0x0;
	s5 =	sld [smem:$0x3FB4]  }
0x2b: {  	s6 =	sld [smem:$0x3FB5]  }
0x2c: {  	s7 =	sld [smem:$0x3FB6]  }
0x2d: {  	s3 =	simm.s32 $0x108;
	s8 =	sld [smem:$0x3FB7]  }
0x2e: {  	s3 =	simm.s32 @!p0 $0x1082;
	s9 =	sld [smem:$0x3FB8]  }
0x2f: {  	lr =	sadd.s32 s0, s3;
	s0 =	sld [smem:$0x3FAF]  }
0x30: {  	s3 =	sld [smem:$0x3FB2]  }
0x31: {  	[smem:$0x3FBB] =	sst s10  }
0x32: {  	s10 =	sld [smem:$0x3FB9];
	_ =	sdelay $0x3  }
0x33: {  	p0 =	seq.s32 s10, $0x1;
	s10 =	sld [smem:$0x3FBB];
	_ =	sdelay $0x3  }
0x34: {  	[smem:$0x3FBB] =	sst s10  }
0x35: {  	s10 =	sld [smem:$0x3FBA];
	_ =	sdelay $0x3  }
0x36: {  	p1 =	seq.s32 s10, $0x1;
	s10 =	sld [smem:$0x3FBB];
	_ =	sdelay $0x3  }
0x37: {  	[smem:$0x3FBB] =	sst s10  }
0x38: {  	s10 =	sld [smem:$0x3FBC]  }
0x39: {  	_ = 	snop;
	(pc) =	sbr.ind lr, $3  }
0x3a: {  	_ = 	snop  }
0x3b: {  	_ = 	snop  }
0x3c: {  	p2 =	seq.s32 s10, $0x1;
	s10 =	sld [smem:$0x3FBB]  }
0x3d: {  	_ =	shalt  }
0x3e: {  	_ =	shalt  }
0x3f: {  	_ =	shalt  }
0x40: {  	_ =	shalt  }
0x41: {  	_ =	shalt  }
0x42: {  	_ =	shalt  }
0x43: {  	_ =	shalt  }
0x44: {  	_ =	shalt  }
0x45: {  	_ =	shalt  }
0x46: {  	_ =	shalt  }
0x47: {  	_ =	shalt  }
0x48: {  	_ =	shalt  }
0x49: {  	_ =	shalt  }
0x4a: {  	_ =	shalt  }
0x4b: {  	_ =	shalt  }
0x4c: {  	_ =	shalt  }
0x4d: {  	_ =	shalt  }
0x4e: {  	_ =	shalt  }
0x4f: {  	_ =	shalt  }
0x50: {  	_ =	shalt  }
0x51: {  	_ =	shalt  }
0x52: {  	_ =	shalt  }
0x53: {  	_ =	shalt  }
0x54: {  	_ =	shalt  }
0x55: {  	_ =	shalt  }
0x56: {  	_ =	shalt  }
0x57: {  	_ =	shalt  }
0x58: {  	_ =	shalt  }
0x59: {  	_ =	shalt  }
0x5a: {  	_ =	shalt  }
0x5b: {  	_ =	shalt  }
0x5c: {  	_ =	shalt  }
0x5d: {  	_ =	shalt  }
0x5e: {  	_ =	shalt  }
0x5f: {  	_ =	shalt  }
0x60: {  	_ =	shalt  }
0x61: {  	_ =	shalt  }
0x62: {  	_ =	shalt  }
0x63: {  	_ =	shalt  }
0x64: {  	_ =	shalt  }
0x65: {  	_ =	shalt  }
0x66: {  	_ =	shalt  }
0x67: {  	_ =	shalt  }
0x68: {  	_ =	shalt  }
0x69: {  	_ =	shalt  }
0x6a: {  	_ =	shalt  }
0x6b: {  	_ =	shalt  }
0x6c: {  	_ =	shalt  }
0x6d: {  	_ =	shalt  }
0x6e: {  	_ =	shalt  }
0x6f: {  	_ =	shalt  }
0x70: {  	_ =	shalt  }
0x71: {  	_ =	shalt  }
0x72: {  	_ =	shalt  }
0x73: {  	_ =	shalt  }
0x74: {  	_ =	shalt  }
0x75: {  	_ =	shalt  }
0x76: {  	_ =	shalt  }
0x77: {  	_ =	shalt  }
0x78: {  	_ =	shalt  }
0x79: {  	_ =	shalt  }
0x7a: {  	_ =	shalt  }
0x7b: {  	_ =	shalt  }
0x7c: {  	_ =	shalt  }
0x7d: {  	_ =	shalt  }
0x7e: {  	_ =	shalt  }
0x7f: {  	_ =	shalt  }
0x80: {  	_ =	shalt  }
0x81: {  	_ =	shalt  }
0x82: {  	_ =	shalt  }
0x83: {  	_ =	shalt  }
0x84: {  	_ =	shalt  }
0x85: {  	_ =	shalt  }
0x86: {  	_ =	shalt  }
0x87: {  	_ =	shalt  }
.Lfunc_end0:
.L_simem_size_0:
called_computation_lowered:
.L_overlay_start_0:
0x88: {  	s2 =	sld [smem:$0x3FD9]  }
0x89: {  	s3 =	sld [smem:$0x3FFE];
	_ =	sdelay $0x1  }
0x8a: {  	s1 =	srdreg.scid  }
0x8b: {  	s0 =	sand.u32 $0x1, s1  }
0x8c: {  	s18 =	sshll.u32 s0, $0xA;
	s2 =	sadd.s32 s3, s2  }
0x8d: {  	s2 =	sadd.s32 s2, s18  }
0x8e: {  	[smem:$0x3FC7] =	sst s2  }
0x8f: {  	_ = 	snop  }
0x90: {  	s2 =	sld [smem:$0x3FC9]  }
0x91: {  	s19 =	sld [smem:$0x3FD0];
	(tm) =	ssettm $0x1  }
0x92: {  	s4 =	sld [smem:$0x3FFB];
	_ =	sdelay $0x3  }
0x93: {  	_ =	strace s4  }
0x94: {  	s4 =	sld [smem:$0x3FFC];
	_ =	sdelay $0x3  }
0x95: {  	_ =	strace s4  }
0x96: {  	s4 =	sld [smem:$0x3FFD];
	_ =	sdelay $0x3  }
0x97: {  	_ =	strace s4  }
0x98: {  	_ =	strace $0x8FFFFFFF  }
0x99: {  	s20 =	sld [smem:$0x3FDB];
	_ =	sdelay $0x1  }
0x9a: {  	s5 =	simm.s32 $_scs_section_size  }
0x9b: {  	s6 =	simm.s32 $_size__tile_overlayer_lowered;
	s7 =	simm.s32 $_tile_overlayer_lowered  }
0x9c: {  	s23 =	simm.s32 $0x1BFF;
	s22 =	sshll.u32 s7, $0x1;
	s4 =	sadd.s32 s5, s20  }
0x9d: {  	s8 =	simm.s32 $0x0;
	s21 =	sshll.u32 s6, $0x1;
	s6 =	sadd.s32 s22, s4  }
0x9e: {  	[timem:s8], [sflag:s23] =	dma.local [hbm:s6], s21  }
0x9f: {  	_ =	swait.ge [sflag:s23], s21  }
0xa0: {  	s5 =	ssub.s32 $0x0, s21;
	[sflag:s23] =	ssyncset.done $0x0  }
0xa1: {  	[sflag:s23] =	ssyncadd.s32 s5;
	_ =	sdelay $0x1  }
0xa2: {  	s24 =	simm.s32 $0x1B8B  }
0xa3: {  	_ =	swait.ge [sflag:s24], $0x1  }
0xa4: {  	[sflag:s24] =	ssyncset.done $0x0  }
0xa5: {  	s25 =	simm.s32 $0x1B8E;
	[sflag:s24] =	ssyncadd.s32 $0xFFFFFFFF  }
0xa6: {  	s26 =	simm.s32 $execute0_lowered;
	[smem:$0x3FD2] =	sst s25  }
0xa7: {  	s5 =	sshll.u32 s26, $0x1;
	_ =	strace $0x80000046;
	[dreg:$0x1] =	wrdreg $0xFFFFFFFF  }
0xa8: {  	s28 =	simm.s32 $_size_execute0_lowered;
	s4 =	sadd.s32 s4, s5;
	[dreg:$0x0] =	wrdreg $0x0  }
0xa9: {  	s5 =	sshll.u32 s28, $0x1;
	[dreg:$0x2] =	wrdreg s4  }
0xaa: {  	[dreg:$0x3] =	wrdreg s5  }
0xab: {  	[dreg:$0x4] =	wrdreg $0xC0  }
0xac: {  	_ =	task [dreg:s8], $0x5FFFF  }
0xad: {  	[dreg:$0x1] =	wrdreg $0xFFFFFFFF  }
0xae: {  	[dreg:$0x0] =	wrdreg $0x60  }
0xaf: {  	[dreg:$0x2] =	wrdreg s2  }
0xb0: {  	[dreg:$0x3] =	wrdreg s19  }
0xb1: {  	[dreg:$0x4] =	wrdreg $0x9  }
0xb2: {  	_ =	task.clear_ibuf [dreg:s8], $0x5FFFF;
	_ =	strace $0x90000046  }
0xb3: {  	s29 =	simm.s32 $0x9;
	_ =	strace $0x80000048  }
0xb4: {  	_ =	swait.ge [sflag:s29], $0x1  }
0xb5: {  	[sflag:s29] =	ssyncadd.s32 $0xFFFFFFFF  }
0xb6: {  	_ =	strace $0x90000048  }
0xb7: {  	_ =	sfence  }
0xb8: {  	s30 =	sld [smem:$0x0];
	_ =	sdelay $0x2  }
0xb9: {  	s31 =	sshll.u32 s1, $0xD;
	s1 =	sshrl.u32 s1, $0x2  }
0xba: {  	s3 =	sand.u32 $0x4000, s31;
	s1 =	sadd.s32 s1, s30  }
0xbb: {  	s0 =	sor.u32 s3, s0;
	s1 =	sshll.u32 s1, $0x11  }
0xbc: {  	s0 =	sor.u32 s1, s0  }
0xbd: {  	s0 =	sadd.s32 $0x8F2B, s0  }
0xbe: {  	[sflag:s0] =	ssyncadd.remote.s32 $0x1  }
0xbf: {  	_ =	sfence.sel $0xFFFF  }
0xc0: {  	[dreg:$0x0] =	wrdreg $0xFFFFFFFF;
	(pc) =	sbr.abs _section_cstart, $3  }
0xc1: {  	[dreg:$0x1] =	wrdreg $0xFFFFFFFF  }
0xc2: {  	_ =	task.clear_ibuf [dreg:s8], $0x2FFFF;
	_ =	strace $0x9FFFFFFF  }
0xc3: {  	(tm) =	ssettm $0x7FFFFFFF  }
tec
execute0_lowered:
.L_overlay_start_1:
0x0: {  	(tag) =	ssettag $0x1  }
0x1: {  	s3 =	stileid.u32  }
0x2: {  	p0 =	sgt.u32 s3, $0x3  }
.Ltmp0:
0x3: {  	_ = 	snop;
	(pc) =	sbr.rel @p0 .LBB2_47-.Ltmp0, $4  }
0x4: {  	_ = 	snop  }
0x5: {  	s0 =	rddreg [dreg:$0x0];
	s2 =	simm.s32 $0x0  }
0x6: {  	[smem:$0x7FF] =	sst s2  }
0x7: {  	s1 =	rddreg [dreg:$0x1];
	_ =	strace $0x80000047  }
0x8: {  	s3 =	srdreg.scid  }
0x9: {  	s4 =	stileid.u32;
	s7 =	simm.s32 $0x400;
	s8 =	simm.s32 $0x1  }
0xa: {  	s9 =	simm.s32 $0x800;
	s10 =	simm.s32 $0x2800;
	s11 =	simm.s32 $0x1000  }
0xb: {  	s12 =	simm.s32 $0x1800;
	s13 =	simm.s32 $0x2000;
	s14 =	simm.s32 $0x3C00  }
0xc: {  	v0 =	vimm.s32 $0xEDCBA987;
	s15 =	simm.s32 $0x3400;
	s16 =	simm.s32 $0x7580;
	s17 =	simm.s32 $0x6580  }
0xd: {  	v2 =	vimm.s32 $0x65432100;
	v1 =	vlaneseq.u32;
	s18 =	simm.s32 $0x6D80;
	s19 =	simm.s32 $0x7D80;
	s20 =	simm.s32 $0x8580  }
0xe: {  	v9 =	vimm.f32 $1.000000000e+00;
	s21 =	simm.s32 $0x4480;
	s22 =	simm.s32 $0x5480;
	vm0 =	vmmov $0x1;
	s3 =	sand.u32 $0x1, s3;
	v4 =	vunpack.c.l.s4.s8 v0  }
.Ltmp1:
0xf: {  	s23 =	simm.s32 $0x5D00;
	v0 =	vimm.f32 $4.882812500e-04;
	v5 =	vunpack.c.l.s4.s8 v2;
	v2 =	vimm.s32 $0x0;
	s6 =	ssub.s32 $0x2, s3;
	(pc) =	sbr.rel .LBB2_2-.Ltmp1, $4  }
0x10: {  	s4 =	sshll.u32 s4, $0x5;
	v3 =	vmul.u32 $0x80, v1;
	v7 =	vmul.u32 $0xFFFFFFFF, v1;
	s5 =	sshll.u32 s3, $0x4;
	s30 =	sshrl.u32 s6, $0x1;
	v6 =	vunpack.c.0.s8.s32 v4  }
0x11: {  	s24 =	simm.s32 $0x9580;
	s4 =	sor.u32 s5, s4;
	v4 =	vimm.s32 $0x1;
	v8 =	vunpack.c.0.s8.s32 v5;
	v5 =	vimm.s32 $0xF;
	s31 =	ssub.s32 s6, s30  }
0x12: {  	s3 =	sadd.s32 s1, s4;
	s5 =	sadd.s32 s0, s4;
	s4 =	smax.u32 s31, $0x1;
	v10 =	vand.u32 $0xF, v6;
	v6 =	vadd.s32 $0x7FF, v7;
	v7 =	vand.u32 $0x7FFFFFFF, v9  }
0x13: {  	s25 =	simm.s32 $0x0;
	s6 =	simm.s32 $0x80;
	v9 =	vimm.s32 $0x800;
	v8 =	vcombine.low v8, v10;
	v10 =	vimm.f32 $0.0e+00;
	[dreg:$0x3] =	wrdreg s4  }
.LBB2_46:
0x14: {  	s25 =	sadd.s32 $0x1, s25  }
0x15: {  	p0 =	sne.s32 s25, s4  }
.Ltmp2:
0x16: {  	_ = 	snop;
	(pc) =	sbr.rel @!p0 .LBB2_47-.Ltmp2, $4  }
0x17: {  	[hbm4b:s3+s6] =	stream.strided.scatter [tilespmem:s24], [sflag:$0x1], $0x800, s7, s6, $0x38;
	[tilespmem:$0x9D80] =	vst v63  }
0x18: {  	_ =	swait.ge [sflag:s8], $0x800  }
0x19: {  	[sflag:s8] =	ssyncset.done $0x0  }
0x1a: {  	[sflag:s8] =	ssyncadd.s32 $0xFFFFF800  }
.LBB2_2:
0x1b: {  	s0 =	simm.s32 $0x0  }
0x1c: {  	[tilespmem:s0], [sflag:$0x1] =	stream.strided.gather [hbm4b:s5+s6], $0x800, s7, s6, $0x38;
	[tilespmem:$0x9D80] =	vst v63  }
0x1d: {  	_ =	swait.ge [sflag:s8], $0x800  }
0x1e: {  	[sflag:s8] =	ssyncset.done $0x0  }
0x1f: {  	s31 =	simm.s32 $0x0;
	[sflag:s8] =	ssyncadd.s32 $0xFFFFF800  }
0x20: {  	v12 =	vld [tilespmem:s31+$0x0]  }
0x21: {  	v13 =	vld [tilespmem:s31+$0x10]  }
0x22: {  	v14 =	vld [tilespmem:s31+$0x20];
	[tilespmem:s31+$0x9580] =	vst v0  }
0x23: {  	v15 =	vld [tilespmem:s31+$0x30];
	[tilespmem:s31+$0x9590] =	vst v0  }
0x24: {  	[tilespmem:s31+$0x95A0] =	vst v0  }
0x25: {  	s1 =	simm.s32 $0x40;
	[tilespmem:s31+$0x95B0] =	vst v0  }
0x26: {  	v11 =	vld [tilespmem:s1+$0x0]  }
0x27: {  	[tilespmem:s1+$0x9580] =	vst v0;
	v16 =	vand.u32 $0x7FFFFFFF, v12;
	v12 =	vld [tilespmem:s1+$0x10]  }
0x28: {  	[tilespmem:s1+$0x9590] =	vst v0;
	v17 =	vand.u32 $0x7FFFFFFF, v13;
	v14 =	vand.u32 $0x7FFFFFFF, v14;
	v15 =	vand.u32 $0x7FFFFFFF, v15;
	v13 =	vld [tilespmem:s1+$0x20]  }
0x29: {  	[tilespmem:s1+$0x95A0] =	vst v0;
	v16 =	vmax.f32 v16, v17;
	v14 =	vmax.f32 v14, v15;
	v15 =	vld [tilespmem:s1+$0x30]  }
0x2a: {  	s0 =	simm.s32 $0x200;
	[tilespmem:s1+$0x95B0] =	vst v0;
	v16 =	vmax.f32 v16, v14;
	v14 =	vimm.f32 $0.0e+00  }
.LBB2_3:
0x2b: {  	s1 =	sshra.s32 s0, $0x2;
	v14 =	vmax.f32 v14, v16;
	v16 =	vmov v11;
	p0 =	sne.s32 s0, $0x1F00  }
.Ltmp3:
0x2c: {  	v11 =	vld [tilespmem:s1+$0x0];
	[tilespmem:s1+$0x9580] =	vst v0;
	v17 =	vmov v12;
	(pc) =	sbr.rel @p0 .LBB2_3-.Ltmp3, $4  }
0x2d: {  	v16 =	vand.u32 $0x7FFFFFFF, v16;
	v12 =	vld [tilespmem:s1+$0x10];
	[tilespmem:s1+$0x9590] =	vst v0  }
0x2e: {  	s0 =	sadd.s32 $0x100, s0;
	v17 =	vand.u32 $0x7FFFFFFF, v17;
	v18 =	vand.u32 $0x7FFFFFFF, v13;
	[tilespmem:s1+$0x95A0] =	vst v0;
	v13 =	vld [tilespmem:s1+$0x20];
	v19 =	vand.u32 $0x7FFFFFFF, v15  }
0x2f: {  	v16 =	vmax.f32 v16, v17;
	v15 =	vld [tilespmem:s1+$0x30];
	[tilespmem:s1+$0x95B0] =	vst v0;
	v17 =	vmax.f32 v18, v19  }
0x30: {  	v16 =	vmax.f32 v16, v17  }
0x31: {  	_ =	sdelay $0x1  }
0x32: {  	v11 =	vand.u32 $0x7FFFFFFF, v11  }
0x33: {  	v12 =	vand.u32 $0x7FFFFFFF, v12;
	v13 =	vand.u32 $0x7FFFFFFF, v13;
	v15 =	vand.u32 $0x7FFFFFFF, v15  }
0x34: {  	v11 =	vmax.f32 v11, v12;
	v62 =	vmax.f32 v13, v15  }
0x35: {  	v63 =	vmax.f32 v14, v16;
	v11 =	vmax.f32 v11, v62  }
0x36: {  	v11 =	vmax.f32 v63, v11  }
0x37: {  	(xrf0) =	vmax.scan.msk.f32 $0xffff, v11;
	_ =	sdelay $0x5  }
0x38: {  	v11, _, _ =	vpop (xrf0)  }
0x39: {  	(v2sf) =	vpush v11, $0xF;
	_ =	sdelay $0xe  }
0x3a: {  	s0 =	spop (v2sf)  }
0x3b: {  	p0 =	sgt.f32 s0, $5.120000000e+02  }
.Ltmp4:
0x3c: {  	_ = 	snop;
	(pc) =	sbr.rel @!p0 .LBB2_46-.Ltmp4, $1  }
0x3d: {  	_ =	sdelay $0x3  }
0x3e: {  	s26 =	simm.s32 $0x0  }
0x3f: {  	v11 =	vld [tilespmem:s26+$0x0];
	_ =	sdelay $0x4  }
0x40: {  	s1 =	simm.s32 $0x800;
	v11 =	vand.u32 $0x7FFFFFFF, v11  }
0x41: {  	s0 =	simm.s32 $0x1000;
	[tilespmem:s1+$0x0] =	vst v11;
	v11 =	vor.u32 s26, v1  }
0x42: {  	s6 =	simm.s32 $0x10;
	[tilespmem:s0+$0x0] =	vst v11  }
0x43: {  	v11 =	vld [tilespmem:s6+$0x0]  }
0x44: {  	s7 =	simm.s32 $0x20;
	s28 =	simm.s32 $0x10  }
.LBB2_6:
0x45: {  	p0 =	sne.s32 s7, $0x7F0;
	_ =	sdelay $0x2  }
.Ltmp5:
0x46: {  	s1 =	sadd.s32 $0x10, s1;
	v11 =	vand.u32 $0x7FFFFFFF, v11;
	(pc) =	sbr.rel @p0 .LBB2_6-.Ltmp5, $4  }
0x47: {  	s0 =	sadd.s32 $0x10, s0;
	[tilespmem:s1+$0x0] =	vst v11;
	v11 =	vor.u32 s6, v1;
	s6 =	smov.u32 s7  }
0x48: {  	s28 =	sadd.s32 $0x10, s28;
	[tilespmem:s0+$0x0] =	vst v11  }
0x49: {  	v11 =	vld [tilespmem:s28+$0x0]  }
0x4a: {  	s7 =	sadd.s32 $0x10, s7  }
0x4b: {  	_ =	sdelay $0x2  }
0x4c: {  	s1 =	sadd.s32 $0x10, s1;
	v11 =	vand.u32 $0x7FFFFFFF, v11  }
0x4d: {  	s0 =	sadd.s32 $0x10, s0;
	[tilespmem:s1+$0x0] =	vst v11;
	v11 =	vor.u32 s6, v1  }
0x4e: {  	[tilespmem:s0+$0x0] =	vst v11  }
.LBB2_8:
0x4f: {  	s0 =	simm.s32 $0x40;
	s1 =	simm.s32 $0x0  }
.LBB2_9:
0x50: {  	p0 =	seq.s32 s0, $0xFC0;
	[tilespmem:s1+$0x2800] =	vst v2;
	s1 =	smov.u32 s0;
	s0 =	sadd.s32 $0x40, s0  }
.Ltmp6:
0x51: {  	(pc) =	sbr.rel @!p0 .LBB2_9-.Ltmp6, $2  }
0x52: {  	_ =	sdelay $0x2  }
0x53: {  	s1 =	sshra.s32 s1, $0x2  }
0x54: {  	s0 =	smul.u32 $0x6, s26;
	_ =	sdelay $0x1  }
0x55: {  	[tilespmem:s1+$0x2800] =	vst v2;
	v11 =	vmov s0;
	s0 =	simm.s32 $0x0  }
.LBB2_11:
0x56: {  	v12 =	vor.u32 s0, v3;
	_ =	sdelay $0x4  }
0x57: {  	v12 =	vld.idx.msk [tilespmem:v12+s9+$0x0], $0xffff;
	_ =	sdelay $0x4  }
0x58: {  	v12 =	vshra.s32 v12, v11  }
0x59: {  	v12 =	vshll.u32 v12, $0x4  }
0x5a: {  	v12 =	vor.u32 v1, v12  }
0x5b: {  	p0 =	sne.s32 s0, $0x7F;
	v12 =	vand.u32 $0x3FF, v12  }
.Ltmp7:
0x5c: {  	_ = 	snop;
	(pc) =	sbr.rel @p0 .LBB2_11-.Ltmp7, $2  }
0x5d: {  	_ =	sdelay $0x2  }
0x5e: {  	s0 =	sadd.s32 $0x1, s0;
	[tilespmem:v12+s10+$0x0] =	vst.idx.add.s32.msk $0xffff, v4  }
0x5f: {  	s6 =	simm.s32 $0x0  }
0x60: {  	v13 =	vld [tilespmem:s6+$0x2800];
	_ =	sdelay $0x4  }
0x61: {  	(xrf0) =	vadd.scan.msk.s32 $0xffff, v13;
	_ =	sdelay $0x4  }
0x62: {  	v12 =	vimm.s32 $0x0  }
0x63: {  	v13 =	vsub.s32 v12, v13;
	v14, _, _ =	vpop (xrf0)  }
0x64: {  	v15 =	vadd.s32 v14, v13;
	v13 =	vperm.xlane v14, v5  }
0x65: {  	s0 =	simm.s32 $0x10;
	s1 =	simm.s32 $0x80;
	[tilespmem:s6+$0x2800] =	vst v15  }
.LBB2_13:
0x66: {  	p0 =	sne.s32 s1, $0xFC0;
	v14 =	vld [tilespmem:s0+$0x2800];
	v12 =	vadd.s32 v12, v13;
	_ =	sdelay $0x4  }
0x67: {  	v13 =	vsub.s32 v12, v14;
	(xrf0) =	vadd.scan.msk.s32 $0xffff, v14;
	_ =	sdelay $0x3  }
.Ltmp8:
0x68: {  	(pc) =	sbr.rel @p0 .LBB2_13-.Ltmp8, $4  }
0x69: {  	_ = 	snop  }
0x6a: {  	v14, _, _ =	vpop (xrf0)  }
0x6b: {  	v15 =	vadd.s32 v14, v13;
	v13 =	vperm.xlane v14, v5  }
0x6c: {  	[tilespmem:s0+$0x2800] =	vst v15;
	s0 =	sshra.s32 s1, $0x2;
	s1 =	sadd.s32 $0x40, s1  }
0x6d: {  	v14 =	vld [tilespmem:s0+$0x2800];
	_ =	sdelay $0x4  }
0x6e: {  	(xrf0) =	vadd.scan.msk.s32 $0xffff, v14;
	_ =	sdelay $0x4  }
0x6f: {  	v12 =	vadd.s32 v12, v13  }
0x70: {  	v12 =	vsub.s32 v12, v14;
	v63, _, _ =	vpop (xrf0)  }
0x71: {  	v12 =	vadd.s32 v63, v12  }
0x72: {  	[tilespmem:s0+$0x2800] =	vst v12;
	s0 =	simm.s32 $0x0  }
.LBB2_15:
0x73: {  	v12 =	vor.u32 s0, v3;
	_ =	sdelay $0x4  }
0x74: {  	v13 =	vld.idx.msk [tilespmem:v12+s9+$0x0], $0xffff;
	_ =	sdelay $0x4  }
0x75: {  	v14 =	vshra.s32 v13, v11  }
0x76: {  	v14 =	vshll.u32 v14, $0x4  }
0x77: {  	v14 =	vor.u32 v1, v14  }
0x78: {  	v14 =	vand.u32 $0x3FF, v14;
	_ =	sdelay $0x4  }
0x79: {  	v15 =	vld.idx.msk [tilespmem:v14+s10+$0x0], $0xffff;
	_ =	sdelay $0x4  }
0x7a: {  	p0 =	seq.s32 s26, $0x5;
	v16 =	vsub.s32 $0x7FF, v15  }
0x7b: {  	v15 =	vpsel p0, v16, v15  }
0x7c: {  	v12 =	vld.idx.msk [tilespmem:v12+s11+$0x0], $0xffff;
	p0 =	sne.s32 s0, $0x7F  }
.Ltmp9:
0x7d: {  	_ = 	snop;
	(pc) =	sbr.rel @p0 .LBB2_15-.Ltmp9, $4  }
0x7e: {  	_ = 	snop  }
0x7f: {  	[tilespmem:v14+s10+$0x0] =	vst.idx.add.s32.msk $0xffff, v4  }
0x80: {  	[tilespmem:v15+s12+$0x0] =	vst.idx.msk $0xffff, v13  }
0x81: {  	s0 =	sadd.s32 $0x1, s0;
	[tilespmem:v15+s13+$0x0] =	vst.idx.msk $0xffff, v12  }
0x82: {  	s0 =	simm.s32 $0x0  }
0x83: {  	v11 =	vld [tilespmem:s0+$0x2000]  }
0x84: {  	s1 =	simm.s32 $0x40;
	v12 =	vld [tilespmem:s0+$0x1800]  }
.LBB2_17:
0x85: {  	p0 =	sne.s32 s1, $0x1FC0  }
.Ltmp10:
0x86: {  	_ = 	snop;
	(pc) =	sbr.rel @p0 .LBB2_17-.Ltmp10, $4  }
0x87: {  	_ = 	snop  }
0x88: {  	s6 =	sshra.s32 s1, $0x2;
	s1 =	sadd.s32 $0x40, s1;
	[tilespmem:s0+$0x1000] =	vst v11  }
0x89: {  	v11 =	vld [tilespmem:s6+$0x2000];
	[tilespmem:s0+$0x800] =	vst v12;
	s0 =	smov.u32 s6  }
0x8a: {  	v12 =	vld [tilespmem:s0+$0x1800]  }
0x8b: {  	s26 =	sadd.s32 $0x1, s26  }
0x8c: {  	p0 =	sne.s32 s26, $0x6  }
.Ltmp11:
0x8d: {  	_ = 	snop;
	(pc) =	sbr.rel @p0 .LBB2_8-.Ltmp11, $3  }
0x8e: {  	_ =	sdelay $0x1  }
0x8f: {  	[tilespmem:s0+$0x1000] =	vst v11  }
0x90: {  	[tilespmem:s0+$0x800] =	vst v12  }
0x91: {  	s4 =	smov.u32 s3;
	s0 =	simm.s32 $0x0;
	s1 =	simm.s32 $0x1000  }
0x92: {  	v11 =	vimm.f32 $0.0e+00;
	v13 =	vimm.f32 $+Inf;
	v12 =	vimm.s32 $0x0;
	s6 =	simm.s32 $0x2C00;
	s26 =	simm.s32 $0x3400;
	s28 =	simm.s32 $0x4C80  }
.LBB2_20:
0x93: {  	v14 =	vld [tilespmem:s1+$0x0];
	_ =	sdelay $0x7  }
0x94: {  	v14 =	vld.idx.msk [tilespmem:v14+s2+$0x0], $0xffff;
	_ =	sdelay $0x1  }
0x95: {  	v15 =	vmov s0  }
0x96: {  	v15 =	vsub.s32 v6, v15  }
0x97: {  	v15 =	vcvt.s32.f32 v15  }
0x98: {  	v16 =	vand.u32 $0x7FFFFFFF, v14  }
0x99: {  	v15 =	vsub.f32 v16, v15;
	_ =	sdelay $0x1  }
0x9a: {  	v16 =	vperm.xlane v15, v8;
	_ =	sdelay $0x1  }
0x9b: {  	(xrf2) =	vadd.scan.msk.f32 $0xffff, v15;
	v13 =	vsel vm0, v13, v16  }
0x9c: {  	vm1 =	vlt.f32 v15, v13  }
0x9d: {  	v13 =	vsel vm1, $0x1, v2  }
0x9e: {  	(xrf0) =	vadd.scan.msk.s32 $0xffff, v13;
	_ =	sdelay $0x5  }
0x9f: {  	v13, _, _ =	vpop (xrf0)  }
0xa0: {  	v19 =	vand.u32 $0x80000000, v14;
	vm2 =	vlt.f32 v14, $0.0e+00;
	v61, _, _ =	vpop (xrf2);
	v17 =	vadd.s32 v13, v12  }
0xa1: {  	p0 =	sne.s32 s0, $0x7F0;
	vm3 =	vgt.f32 v14, $0.0e+00;
	v18 =	vadd.f32 v61, v11;
	v17 =	vadd.s32 $0xFFFFFFFF, v17  }
.Ltmp12:
0xa2: {  	vm2 =	vmor vm3, vm2;
	v19 =	vor.u32 v19, v7;
	[tilespmem:s6+$0x0] =	vst v15;
	(pc) =	sbr.rel @p0 .LBB2_20-.Ltmp12, $4  }
0xa3: {  	v14 =	vsel vm2, v19, v14;
	[tilespmem:s26+$0x0] =	vst v18  }
0xa4: {  	v63 =	vperm.xlane v13, v5;
	[tilespmem:s28+$0x0] =	vst v14;
	v14 =	vperm.xlane v61, v5  }
0xa5: {  	v62 =	vor.u32 s0, v1;
	s1 =	sadd.s32 $0x10, s1;
	s0 =	sadd.s32 $0x10, s0;
	v13 =	vperm.xlane v15, v5  }
0xa6: {  	s6 =	sadd.s32 $0x10, s6;
	s26 =	sadd.s32 $0x10, s26;
	v12 =	vadd.s32 v12, v63;
	s28 =	sadd.s32 $0x10, s28;
	v11 =	vadd.f32 v14, v11;
	[tilespmem:v17+s14+$0x0] =	vst.idx.msk vm1, v62  }
0xa7: {  	v11 =	vxor.u32 $0x80000000, v12  }
0xa8: {  	(xrf0) =	vmax.scan.msk.u32 $0xffff, v11;
	_ =	sdelay $0x5  }
0xa9: {  	v11, _, _ =	vpop (xrf0)  }
0xaa: {  	(v2sf) =	vpush v11, $0xF;
	_ =	sdelay $0xe  }
0xab: {  	s0 =	spop (v2sf)  }
0xac: {  	s28 =	sxor.u32 $0x80000000, s0  }
0xad: {  	v11 =	vmov s28;
	p0 =	sgt.s32 s28, $0x0  }
.Ltmp13:
0xae: {  	_ = 	snop;
	(pc) =	sbr.rel @p0 .LBB2_22-.Ltmp13, $4  }
.Ltmp14:
0xaf: {  	_ = 	snop;
	(pc) =	sbr.rel @!p0 .LBB2_27-.Ltmp14, $4  }
0xb0: {  	_ = 	snop  }
0xb1: {  	_ = 	snop  }
0xb2: {  	s26 =	simm.s32 $0x0;
	s3 =	simm.s32 $0xFFFFFFFF;
	[tilespmem:v11+s14+$0x0] =	vst.idx.msk $0x1, v9  }
0xb3: {  	_ = 	snop  }
.LBB2_25:
0xb4: {  	v11 =	vmov s3;
	_ =	sdelay $0x3  }
0xb5: {  	v12 =	vmov s31;
	p0 =	seq.s32 s26, s28  }
.Ltmp15:
0xb6: {  	v60 =	vmov s30;
	[tilespmem:v11+s17+$0x0] =	vst.idx.msk $0x1, v12;
	(pc) =	sbr.rel @p0 .LBB2_26-.Ltmp15, $4  }
0xb7: {  	v61 =	vmov s7;
	[tilespmem:v11+s18+$0x0] =	vst.idx.msk $0x1, v60  }
0xb8: {  	v62 =	vmov s0;
	[tilespmem:v11+s16+$0x0] =	vst.idx.msk $0x1, v61  }
0xb9: {  	v63 =	vmov s6;
	[tilespmem:v11+s19+$0x0] =	vst.idx.msk $0x1, v62  }
0xba: {  	[tilespmem:v11+s20+$0x0] =	vst.idx.msk $0x1, v63  }
.LBB2_22:
0xbb: {  	v11 =	vmov s26;
	_ =	sdelay $0x1  }
0xbc: {  	s26 =	sadd.s32 $0x1, s26  }
0xbd: {  	v12 =	vmov s26;
	_ =	sdelay $0x1  }
0xbe: {  	v11 =	vld.idx.msk [tilespmem:v11+s14+$0x0], $0xffff;
	_ =	sdelay $0x2  }
0xbf: {  	v12 =	vld.idx.msk [tilespmem:v12+s14+$0x0], $0xffff;
	_ =	sdelay $0x1  }
0xc0: {  	v11 =	vxor.u32 $0x80000000, v11  }
0xc1: {  	(xrf0) =	vmax.scan.msk.u32 $0xffff, v11;
	_ =	sdelay $0x1  }
0xc2: {  	v11 =	vxor.u32 $0x80000000, v12  }
0xc3: {  	(xrf0) =	vmax.scan.msk.u32 $0xffff, v11;
	_ =	sdelay $0x2  }
0xc4: {  	v11, _, _ =	vpop (xrf0)  }
0xc5: {  	(v2sf) =	vpush v11, $0xF;
	_ =	sdelay $0x1  }
0xc6: {  	v11, _, _ =	vpop (xrf0)  }
0xc7: {  	(v2sf) =	vpush v11, $0xF;
	_ =	sdelay $0xb  }
0xc8: {  	s0 =	spop (v2sf)  }
0xc9: {  	s6 =	sadd.s32 $0x7FFFFFFF, s0  }
0xca: {  	p0 =	sgt.s32 s6, $0x0  }
0xcb: {  	s7 =	spop (v2sf);
	s6 =	simm.s32 @!p0 $0x0  }
0xcc: {  	s29 =	sadd.s32 $0x7FFFFFFF, s7;
	v11 =	vmov s6  }
0xcd: {  	v63 =	vmov s29;
	v11 =	vbroadcast v11, $0x0;
	_ =	sdelay $0x4  }
0xce: {  	v12 =	vld.idx.msk [tilespmem:v63+s15+$0x0], $0xffff  }
0xcf: {  	v11 =	vld.idx.msk [tilespmem:v11+s15+$0x0], $0xffff;
	_ =	sdelay $0x3  }
0xd0: {  	(xrf0) =	vmax.scan.msk.f32 $0xffff, v12  }
0xd1: {  	(xrf0) =	vmax.scan.msk.f32 $0xffff, v11;
	_ =	sdelay $0x4  }
0xd2: {  	v11, _, _ =	vpop (xrf0)  }
0xd3: {  	(v2sf) =	vpush v11, $0xF;
	v11, _, _ =	vpop (xrf0)  }
0xd4: {  	(v2sf) =	vpush v11, $0xF;
	_ =	sdelay $0x3  }
0xd5: {  	s7 =	sxor.u32 $0x80000000, s7;
	s6 =	sxor.u32 $0x80000000, s0  }
0xd6: {  	s0 =	ssub.s32 s7, s6  }
0xd7: {  	s30 =	scvt.s32.f32 s0;
	_ =	sdelay $0x1  }
0xd8: {  	v11 =	vmov s30  }
0xd9: {  	(erf) = vrcp.f32 v11;
	_ =	sdelay $0x4  }
0xda: {  	s29 =	spop (v2sf)  }
0xdb: {  	p0 =	sgt.s32 s6, $0x0;
	s7 =	spop (v2sf)  }
0xdc: {  	s7 =	simm.s32 @!p0 $0x0  }
0xdd: {  	s31 =	ssub.f32 s29, s7  }
0xde: {  	v11 =	vpop (erf)  }
0xdf: {  	v11 =	vmul.f32 s31, v11;
	_ =	sdelay $0x1  }
0xe0: {  	(xrf0) =	vmax.scan.msk.f32 $0xffff, v11;
	_ =	sdelay $0x5  }
0xe1: {  	v11, _, _ =	vpop (xrf0)  }
0xe2: {  	(v2sf) =	vpush v11, $0xF;
	_ =	sdelay $0xe  }
0xe3: {  	s3 =	sadd.s32 $0x1, s3;
	s0 =	simm.s32 $0x1;
	s7 =	spop (v2sf)  }
.LBB2_23:
0xe4: {  	s1 =	sadd.s32 $0xFFFFFFFF, s3  }
0xe5: {  	p0 =	sgt.s32 s1, $0x0;
	s29 =	smov.u32 s1  }
0xe6: {  	s29 =	simm.s32 @!p0 $0x0  }
0xe7: {  	v11 =	vmov s29  }
0xe8: {  	v11 =	vbroadcast v11, $0x0;
	_ =	sdelay $0x5  }
0xe9: {  	v11 =	vld.idx.msk [tilespmem:v11+s16+$0x0], $0xffff;
	_ =	sdelay $0x4  }
0xea: {  	(xrf0) =	vmax.scan.msk.f32 $0xffff, v11;
	_ =	sdelay $0x5  }
0xeb: {  	v11, _, _ =	vpop (xrf0)  }
0xec: {  	(v2sf) =	vpush v11, $0xF;
	_ =	sdelay $0xe  }
0xed: {  	p0 =	slt.s32 s1, $0x0;
	s29 =	spop (v2sf)  }
0xee: {  	p1 =	sle.f32 @!p0 s29, s7;
	_ =	sdelay $0x1  }
0xef: {  	p0 =	por p0, !p1  }
.Ltmp16:
0xf0: {  	_ = 	snop;
	(pc) =	sbr.rel @p0 .LBB2_25-.Ltmp16, $1  }
0xf1: {  	_ =	sdelay $0x3  }
0xf2: {  	v11 =	vmov s1  }
0xf3: {  	v11 =	vand.u32 $0x7FFFFFFF, v11  }
0xf4: {  	v11 =	vbroadcast v11, $0x0;
	_ =	sdelay $0x5  }
0xf5: {  	v12 =	vld.idx.msk [tilespmem:v11+s17+$0x0], $0xffff  }
0xf6: {  	v13 =	vld.idx.msk [tilespmem:v11+s18+$0x0], $0xffff;
	_ =	sdelay $0x3  }
0xf7: {  	(xrf0) =	vmax.scan.msk.f32 $0xffff, v12  }
0xf8: {  	(xrf0) =	vmax.scan.msk.f32 $0xffff, v13;
	_ =	sdelay $0x4  }
0xf9: {  	v12, _, _ =	vpop (xrf0)  }
0xfa: {  	(v2sf) =	vpush v12, $0xF;
	v60, _, _ =	vpop (xrf0)  }
0xfb: {  	(v2sf) =	vpush v60, $0xF;
	_ =	sdelay $0xd  }
0xfc: {  	s3 =	spop (v2sf)  }
0xfd: {  	s6 =	spop (v2sf)  }
0xfe: {  	s30 =	sadd.f32 s6, s30;
	_ =	sdelay $0x1  }
0xff: {  	v61 =	vmov s30  }
0x100: {  	(erf) = vrcp.f32 v61;
	_ =	sdelay $0x6  }
0x101: {  	v62 =	vld.idx.msk [tilespmem:v11+s19+$0x0], $0xffff  }
0x102: {  	v11 =	vld.idx.msk [tilespmem:v11+s20+$0x0], $0xffff;
	s31 =	sadd.f32 s3, s31  }
0x103: {  	v63 =	vpop (erf)  }
0x104: {  	v13 =	vmul.f32 s31, v63;
	_ =	sdelay $0x1  }
0x105: {  	v12 =	vxor.u32 $0x80000000, v62;
	(xrf0) =	vmax.scan.msk.f32 $0xffff, v13  }
0x106: {  	v11 =	vxor.u32 $0x80000000, v11;
	(xrf0) =	vmax.scan.msk.u32 $0xffff, v12  }
0x107: {  	(xrf0) =	vmax.scan.msk.u32 $0xffff, v11;
	_ =	sdelay $0x3  }
0x108: {  	v11, _, _ =	vpop (xrf0)  }
0x109: {  	v12, _, _ =	vpop (xrf0);
	(v2sf) =	vpush v11, $0xF  }
0x10a: {  	(v2sf) =	vpush v12, $0xF;
	v11, _, _ =	vpop (xrf0)  }
0x10b: {  	(v2sf) =	vpush v11, $0xF;
	_ =	sdelay $0xb  }
.Ltmp17:
0x10c: {  	_ = 	snop;
	(pc) =	sbr.rel .LBB2_23-.Ltmp17, $4  }
0x10d: {  	s7 =	spop (v2sf)  }
0x10e: {  	s6 =	spop (v2sf)  }
0x10f: {  	s0 =	sadd.s32 s6, s0;
	s29 =	spop (v2sf)  }
0x110: {  	s3 =	smov.u32 s1;
	s0 =	sadd.s32 $0x80000000, s0;
	s6 =	sxor.u32 $0x80000000, s29  }
.LBB2_26:
0x111: {  	s26 =	sadd.s32 $0x1, s3  }
.LBB2_27:
0x112: {  	s0 =	simm.s32 $0x40;
	s1 =	simm.s32 $0x0;
	s7 =	simm.s32 $0x400  }
.LBB2_28:
0x113: {  	p0 =	sne.s32 s0, $0x1FC0;
	[tilespmem:s1+$0x4480] =	vst v2;
	s1 =	smov.u32 s0;
	s0 =	sadd.s32 $0x40, s0  }
.Ltmp18:
0x114: {  	(pc) =	sbr.rel @p0 .LBB2_28-.Ltmp18, $2  }
0x115: {  	_ =	sdelay $0x2  }
0x116: {  	s1 =	sshra.s32 s1, $0x2  }
0x117: {  	p0 =	slt.s32 s26, $0x2  }
.Ltmp19:
0x118: {  	_ = 	snop;
	(pc) =	sbr.rel @p0 .LBB2_33-.Ltmp19, $2  }
0x119: {  	_ =	sdelay $0x2  }
0x11a: {  	[tilespmem:s1+$0x4480] =	vst v2;
	s0 =	simm.s32 $0x1  }
0x11b: {  	v11 =	vmov s0;
	_ =	sdelay $0x4  }
0x11c: {  	v11 =	vld.idx.msk [tilespmem:v11+s20+$0x0], $0xffff;
	_ =	sdelay $0x4  }
0x11d: {  	v11 =	vxor.u32 $0x80000000, v11  }
0x11e: {  	(xrf0) =	vmax.scan.msk.u32 $0xffff, v11;
	_ =	sdelay $0x5  }
0x11f: {  	v11, _, _ =	vpop (xrf0)  }
0x120: {  	(v2sf) =	vpush v11, $0xF;
	_ =	sdelay $0xa  }
0x121: {  	s0 =	sadd.s32 $0x1, s0  }
0x122: {  	p0 =	sne.s32 s26, s0  }
.Ltmp20:
0x123: {  	_ = 	snop;
	(pc) =	sbr.rel @!p0 .LBB2_32-.Ltmp20, $4  }
0x124: {  	_ = 	snop  }
0x125: {  	s1 =	spop (v2sf)  }
0x126: {  	s1 =	sxor.u32 $0x80000000, s1  }
0x127: {  	v11 =	vmov s1  }
.LBB2_31:
0x128: {  	v12 =	vmov s0;
	s0 =	sadd.s32 $0x1, s0  }
0x129: {  	p0 =	sne.s32 s26, s0;
	_ =	sdelay $0x2  }
0x12a: {  	[tilespmem:v11+s21+$0x0] =	vst.idx.msk $0x1, v4  }
0x12b: {  	v11 =	vld.idx.msk [tilespmem:v12+s20+$0x0], $0xffff;
	_ =	sdelay $0x5  }
0x12c: {  	v11 =	vxor.u32 $0x80000000, v11  }
0x12d: {  	(xrf0) =	vmax.scan.msk.u32 $0xffff, v11;
	_ =	sdelay $0x5  }
0x12e: {  	v11, _, _ =	vpop (xrf0)  }
0x12f: {  	(v2sf) =	vpush v11, $0xF;
	_ =	sdelay $0xc  }
.Ltmp21:
0x130: {  	(pc) =	sbr.rel @p0 .LBB2_31-.Ltmp21, $4  }
0x131: {  	_ = 	snop  }
0x132: {  	s1 =	spop (v2sf)  }
0x133: {  	s1 =	sxor.u32 $0x80000000, s1  }
0x134: {  	v11 =	vmov s1  }
.LBB2_32:
0x135: {  	_ =	sdelay $0x3  }
0x136: {  	[tilespmem:v11+s21+$0x0] =	vst.idx.msk $0x1, v4  }
.LBB2_33:
0x137: {  	s3 =	simm.s32 $0x0  }
0x138: {  	v11 =	vld [tilespmem:s3+$0x4480];
	_ =	sdelay $0x4  }
0x139: {  	(xrf0) =	vadd.scan.msk.s32 $0xffff, v11;
	_ =	sdelay $0x5  }
0x13a: {  	v11 =	vimm.s32 $0x0;
	v12, _, _ =	vpop (xrf0)  }
0x13b: {  	v13 =	vadd.s32 v11, v12;
	v12 =	vperm.xlane v12, v5  }
0x13c: {  	s0 =	simm.s32 $0x0;
	s1 =	simm.s32 $0x10;
	s6 =	simm.s32 $0x80;
	[tilespmem:s3+$0x4480] =	vst v13  }
.LBB2_34:
0x13d: {  	p0 =	sne.s32 s6, $0x1FC0;
	v13 =	vld [tilespmem:s1+$0x4480];
	v11 =	vadd.s32 v11, v12;
	_ =	sdelay $0x4  }
0x13e: {  	(xrf0) =	vadd.scan.msk.s32 $0xffff, v13;
	_ =	sdelay $0x3  }
.Ltmp22:
0x13f: {  	(pc) =	sbr.rel @p0 .LBB2_34-.Ltmp22, $4  }
0x140: {  	_ = 	snop  }
0x141: {  	v12, _, _ =	vpop (xrf0)  }
0x142: {  	v13 =	vadd.s32 v11, v12;
	v12 =	vperm.xlane v12, v5  }
0x143: {  	[tilespmem:s1+$0x4480] =	vst v13;
	s1 =	sshra.s32 s6, $0x2;
	s6 =	sadd.s32 $0x40, s6  }
0x144: {  	v13 =	vld [tilespmem:s1+$0x4480];
	_ =	sdelay $0x4  }
0x145: {  	(xrf0) =	vadd.scan.msk.s32 $0xffff, v13;
	_ =	sdelay $0x5  }
0x146: {  	v11 =	vadd.s32 v11, v12;
	v63, _, _ =	vpop (xrf0)  }
0x147: {  	v11 =	vadd.s32 v11, v63  }
0x148: {  	[tilespmem:s1+$0x4480] =	vst v11  }
.LBB2_36:
0x149: {  	p0 =	sne.s32 s0, $0x2000  }
.Ltmp23:
0x14a: {  	_ = 	snop;
	(pc) =	sbr.rel @p0 .LBB2_36-.Ltmp23, $3  }
0x14b: {  	_ =	sdelay $0x1  }
0x14c: {  	s1 =	sshra.s32 s0, $0x2  }
0x14d: {  	s0 =	sadd.s32 $0x40, s0;
	[tilespmem:s1+$0x5480] =	vst v10  }
0x14e: {  	s26 =	simm.s32 $0x0  }
0x14f: {  	v12 =	vimm.s32 $0x0;
	s0 =	simm.s32 $0x40;
	v11 =	vimm.s32 $0x0;
	v13 =	vld [tilespmem:s26+$0x4C80]  }
.LBB2_38:
0x150: {  	p0 =	sne.s32 s0, $0x1FC0;
	_ =	sdelay $0x1  }
0x151: {  	v14 =	vld [tilespmem:s26+$0x4480];
	_ =	sdelay $0x1  }
0x152: {  	vm2 =	vgt.f32 v13, $0.0e+00  }
0x153: {  	vm1 =	vlt.f32 v13, $0.0e+00;
	v13 =	vsel vm2, $0x1, v2  }
0x154: {  	v15 =	vsel vm1, $0x1, v2;
	(xrf0) =	vadd.scan.msk.s32 $0xffff, v13  }
0x155: {  	(xrf0) =	vadd.scan.msk.s32 $0xffff, v15;
	_ =	sdelay $0x2  }
0x156: {  	v13 =	vld.idx.msk [tilespmem:v14+s16+$0x0], $0xffff  }
0x157: {  	v14 =	vsel vm2, $0xFFFFFFFF, v2  }
0x158: {  	v15 =	vsel vm1, $0xFFFFFFFF, v2;
	v14 =	vadd.s32 v14, v12;
	v16, _, _ =	vpop (xrf0)  }
0x159: {  	v15 =	vadd.s32 v15, v11;
	v14 =	vadd.s32 v16, v14;
	v16 =	vperm.xlane v16, v5;
	v17, _, _ =	vpop (xrf0)  }
0x15a: {  	v15 =	vadd.s32 v17, v15;
	v17 =	vperm.xlane v17, v5  }
0x15b: {  	v12 =	vadd.s32 v12, v16  }
.Ltmp24:
0x15c: {  	v13 =	vmax.f32 v13, $0.0e+00;
	v11 =	vadd.s32 v11, v17;
	(pc) =	sbr.rel @p0 .LBB2_38-.Ltmp24, $4  }
0x15d: {  	[tilespmem:s26+$0x8D80] =	vst v13  }
0x15e: {  	[tilespmem:v14+s22+$0x0] =	vst.idx.msk vm2, v13  }
0x15f: {  	s26 =	sshra.s32 s0, $0x2;
	[tilespmem:v15+s23+$0x0] =	vst.idx.msk vm1, v13  }
0x160: {  	s0 =	sadd.s32 $0x40, s0;
	v13 =	vld [tilespmem:s26+$0x4C80]  }
0x161: {  	_ =	sdelay $0x3  }
0x162: {  	vm2 =	vgt.f32 v13, $0.0e+00  }
0x163: {  	vm1 =	vlt.f32 v13, $0.0e+00;
	v13 =	vsel vm2, $0x1, v2  }
0x164: {  	v14 =	vsel vm1, $0x1, v2;
	(xrf0) =	vadd.scan.msk.s32 $0xffff, v13  }
0x165: {  	(xrf0) =	vadd.scan.msk.s32 $0xffff, v14;
	_ =	sdelay $0x4  }
0x166: {  	v13, _, _ =	vpop (xrf0)  }
0x167: {  	v14, _, _ =	vpop (xrf0)  }
0x168: {  	v15 =	vperm.xlane v14, v5;
	_ =	sdelay $0x1  }
0x169: {  	v15 =	vadd.s32 v11, v15  }
0x16a: {  	v15 =	vxor.u32 $0x80000000, v15  }
0x16b: {  	(xrf0) =	vmax.scan.msk.u32 $0xffff, v15;
	_ =	sdelay $0x5  }
0x16c: {  	v15, _, _ =	vpop (xrf0)  }
0x16d: {  	(v2sf) =	vpush v15, $0xF;
	_ =	sdelay $0x7  }
0x16e: {  	v15 =	vld [tilespmem:s26+$0x4480];
	_ =	sdelay $0x6  }
0x16f: {  	v16 =	vsel vm2, $0xFFFFFFFF, v2;
	s0 =	spop (v2sf)  }
0x170: {  	s28 =	simm.s32 $0x0;
	v17 =	vsel vm1, $0xFFFFFFFF, v2;
	v16 =	vadd.s32 v16, v12;
	v15 =	vld.idx.msk [tilespmem:v15+s16+$0x0], $0xffff;
	s1 =	sadd.s32 $0x7FFFFFFF, s0  }
0x171: {  	v13 =	vadd.s32 v13, v16;
	v16 =	vor.u32 s28, v1;
	s0 =	sxor.u32 $0x80000000, s0;
	v12 =	vmov s1  }
0x172: {  	v17 =	vadd.s32 v17, v11;
	v11 =	vmov s0;
	v18 =	vsub.s32 v12, v16  }
0x173: {  	v14 =	vadd.s32 v14, v17;
	vm3 =	vlt.s32 v16, v11;
	vm4 =	vgt.s32 v18, $0x0  }
0x174: {  	v17 =	vnsel vm4, $0x0, v18  }
0x175: {  	v15 =	vmax.f32 v15, $0.0e+00  }
0x176: {  	[tilespmem:s26+$0x8D80] =	vst v15  }
0x177: {  	[tilespmem:v13+s22+$0x0] =	vst.idx.msk vm2, v15;
	s0 =	ssub.s32 $0x800, s0  }
0x178: {  	s26 =	simm.s32 $0x10;
	[tilespmem:v14+s23+$0x0] =	vst.idx.msk vm1, v15;
	v13 =	vmov s0  }
0x179: {  	v14 =	vor.u32 s26, v1;
	s0 =	simm.s32 $0x20;
	vm1 =	vmmov vm3;
	v16 =	vadd.s32 v13, v16;
	v15 =	vld.idx.msk [tilespmem:v17+s23+$0x0], vm3  }
.LBB2_40:
0x17a: {  	p0 =	sne.s32 s0, $0x7F0;
	v17 =	vsub.s32 v12, v14;
	vm2 =	vlt.s32 v16, $0x80F  }
0x17b: {  	vm3 =	vlt.s32 v14, v11;
	vm4 =	vgt.s32 v17, $0x0;
	v16 =	vnsel vm2, $0x80F, v16  }
0x17c: {  	v17 =	vnsel vm4, $0x0, v17;
	_ =	sdelay $0x1  }
.Ltmp25:
0x17d: {  	v15 =	vsub.f32 $0.0e+00, v15;
	(pc) =	sbr.rel @p0 .LBB2_40-.Ltmp25, $4  }
0x17e: {  	s1 =	simm.s32 $0x5480  }
0x17f: {  	[tilespmem:v16+s1+$0x0] =	vst.idx.msk vm1, v15;
	vm1 =	vmmov vm3  }
0x180: {  	v15 =	vld.idx.msk [tilespmem:v17+s23+$0x0], vm3  }
0x181: {  	v16 =	vadd.s32 v13, v14;
	v14 =	vor.u32 s0, v1;
	s0 =	sadd.s32 $0x10, s0  }
0x182: {  	v12 =	vsub.s32 v12, v14;
	vm2 =	vlt.s32 v16, $0x80F  }
0x183: {  	vm3 =	vlt.s32 v14, v11;
	vm4 =	vgt.s32 v12, $0x0;
	v11 =	vnsel vm2, $0x80F, v16  }
0x184: {  	v12 =	vnsel vm4, $0x0, v12;
	_ =	sdelay $0x1  }
0x185: {  	v15 =	vsub.f32 $0.0e+00, v15;
	_ =	sdelay $0x1  }
0x186: {  	[tilespmem:v11+s1+$0x0] =	vst.idx.msk vm1, v15  }
0x187: {  	v11 =	vld.idx.msk [tilespmem:v12+s23+$0x0], vm3;
	v12 =	vadd.s32 v13, v14  }
0x188: {  	vm2 =	vlt.s32 v12, $0x80F  }
0x189: {  	v12 =	vnsel vm2, $0x80F, v12;
	_ =	sdelay $0x2  }
0x18a: {  	v11 =	vsub.f32 $0.0e+00, v11;
	_ =	sdelay $0x1  }
0x18b: {  	[tilespmem:v12+s1+$0x0] =	vst.idx.msk vm3, v11  }
0x18c: {  	v11 =	vld [tilespmem:s1+$0x0];
	_ =	sdelay $0x4  }
0x18d: {  	(xrf2) =	vadd.scan.msk.f32 $0xffff, v11;
	_ =	sdelay $0x3  }
0x18e: {  	s0 =	simm.s32 $0x5490  }
0x18f: {  	v12 =	vld [tilespmem:s0+$0x0]  }
0x190: {  	s31 =	simm.s32 $0x54A0  }
0x191: {  	v13 =	vld [tilespmem:s31+$0x0];
	_ =	sdelay $0x1  }
0x192: {  	v16 =	vadd.s32 $0x1, v1  }
0x193: {  	v14 =	vadd.s32 s28, v16;
	v20, _, _ =	vpop (xrf2);
	(xrf2) =	vadd.scan.msk.f32 $0xffff, v12  }
0x194: {  	v14 =	vcvt.s32.f32 v14  }
0x195: {  	(xrf2) =	vadd.scan.msk.f32 $0xffff, v13  }
0x196: {  	v15 =	vmul.f32 v14, v11  }
0x197: {  	v17 =	vimm.f32 $0.0e+00  }
0x198: {  	v21 =	vadd.s32 s26, v16;
	v19 =	vadd.f32 $1.000000000e+00, v15;
	v18 =	vadd.f32 v20, v17  }
0x199: {  	s6 =	simm.s32 $0x54B0;
	vm1 =	vmmov vm3;
	s0 =	simm.s32 $0x20;
	s1 =	simm.s32 $0x30;
	v14 =	vimm.s32 $0x0;
	v15 =	vimm.f32 $0.0e+00  }
.LBB2_42:
0x19a: {  	v22 =	vld [tilespmem:s6+$0x0];
	p0 =	sne.s32 s1, $0x7F0;
	v21 =	vcvt.s32.f32 v21;
	vm1 =	vgt.f32 v19, v18;
	v18 =	vperm.xlane v20, v5;
	s3 =	smov.u32 s1;
	s1 =	sadd.s32 $0x10, s1  }
.Ltmp26:
0x19b: {  	v19 =	vsel vm1, $0x1, v2;
	v23 =	vnsel vm1, $0x0, v11;
	v11 =	vmovc v12;
	v12 =	vmov v13;
	(pc) =	sbr.rel @p0 .LBB2_42-.Ltmp26, $4  }
0x19c: {  	v24 =	vmul.f32 v21, v11;
	v17 =	vadd.f32 v18, v17;
	v15 =	vadd.f32 v23, v15  }
0x19d: {  	v14 =	vadd.s32 v19, v14;
	v20, _, _ =	vpop (xrf2)  }
0x19e: {  	v18 =	vadd.f32 v20, v17;
	v19 =	vadd.f32 $1.000000000e+00, v24  }
0x19f: {  	s6 =	sadd.s32 $0x10, s6;
	v21 =	vadd.s32 s0, v16;
	s0 =	smov.u32 s3;
	(xrf2) =	vadd.scan.msk.f32 $0xffff, v22;
	v13 =	vmov v22  }
0x1a0: {  	_ =	sdelay $0x3  }
0x1a1: {  	v20 =	vperm.xlane v20, v5  }
0x1a2: {  	v21 =	vcvt.s32.f32 v21;
	v22, _, _ =	vpop (xrf2);
	v16 =	vadd.s32 s0, v16  }
0x1a3: {  	v16 =	vcvt.s32.f32 v16;
	v61 =	vperm.xlane v22, v5;
	v17 =	vadd.f32 v20, v17  }
0x1a4: {  	v21 =	vmul.f32 v21, v12  }
0x1a5: {  	v16 =	vmul.f32 v16, v13;
	v20 =	vadd.f32 v61, v17  }
0x1a6: {  	v17 =	vadd.f32 v22, v17;
	v21 =	vadd.f32 $1.000000000e+00, v21;
	v62, _, _ =	vpop (xrf2)  }
0x1a7: {  	vm1 =	vgt.f32 v19, v18;
	v16 =	vadd.f32 $1.000000000e+00, v16;
	v63 =	vadd.f32 v62, v20  }
0x1a8: {  	v19 =	vsel vm1, $0x1, v2;
	vm2 =	vgt.f32 v21, v17  }
0x1a9: {  	v14 =	vadd.s32 v19, v14;
	v17 =	vsel vm2, $0x1, v2;
	vm3 =	vgt.f32 v16, v63  }
0x1aa: {  	v14 =	vadd.s32 v17, v14;
	v16 =	vsel vm3, $0x1, v2  }
0x1ab: {  	v14 =	vadd.s32 v16, v14  }
0x1ac: {  	(xrf0) =	vadd.scan.msk.s32 $0xffff, v14;
	_ =	sdelay $0x1  }
0x1ad: {  	v11 =	vnsel vm1, $0x0, v11  }
0x1ae: {  	v11 =	vadd.f32 v11, v15  }
0x1af: {  	v12 =	vnsel vm2, $0x0, v12  }
0x1b0: {  	v11 =	vadd.f32 v12, v11  }
0x1b1: {  	v12 =	vnsel vm3, $0x0, v13;
	v13, _, _ =	vpop (xrf0)  }
0x1b2: {  	v11 =	vadd.f32 v12, v11;
	(v2sf) =	vpush v13, $0xF;
	_ =	sdelay $0x1  }
0x1b3: {  	(xrf2) =	vadd.scan.msk.f32 $0xffff, v11;
	_ =	sdelay $0x9  }
0x1b4: {  	v11, _, _ =	vpop (xrf2)  }
0x1b5: {  	(v2sf) =	vpush v11, $0xF;
	_ =	sdelay $0x1  }
0x1b6: {  	s0 =	spop (v2sf)  }
0x1b7: {  	p0 =	sgt.s32 s0, $0x1  }
0x1b8: {  	s0 =	simm.s32 @!p0 $0x1  }
0x1b9: {  	s0 =	scvt.s32.f32 s0;
	_ =	sdelay $0x1  }
0x1ba: {  	v11 =	vmov s0  }
0x1bb: {  	(erf) = vrcp.f32 v11;
	_ =	sdelay $0x6  }
0x1bc: {  	s31 =	spop (v2sf)  }
0x1bd: {  	s0 =	sadd.f32 $-1.000000000e+00, s31  }
0x1be: {  	v11 =	vpop (erf)  }
0x1bf: {  	v11 =	vmul.f32 s0, v11;
	_ =	sdelay $0x1  }
0x1c0: {  	(xrf0) =	vmax.scan.msk.f32 $0xffff, v11;
	_ =	sdelay $0x5  }
0x1c1: {  	s1 =	simm.s32 $0x0;
	v11, _, _ =	vpop (xrf0)  }
0x1c2: {  	v12 =	vld [tilespmem:s1+$0x4C80];
	s0 =	simm.s32 $0x40;
	v11 =	vbroadcast v11, $0xF  }
.LBB2_44:
0x1c3: {  	p0 =	sne.s32 s0, $0x1FC0;
	v13 =	vld [tilespmem:s1+$0x8D80];
	_ =	sdelay $0x1  }
0x1c4: {  	v14 =	vld [tilespmem:s1+$0x1000];
	_ =	sdelay $0x2  }
0x1c5: {  	v12 =	vmul.f32 v12, v13;
	_ =	sdelay $0x1  }
.Ltmp27:
0x1c6: {  	v12 =	vsub.f32 v12, v11;
	(pc) =	sbr.rel @p0 .LBB2_44-.Ltmp27, $4  }
0x1c7: {  	_ = 	snop  }
0x1c8: {  	v12 =	vmax.f32 v12, $0.0e+00  }
0x1c9: {  	s1 =	sshra.s32 s0, $0x2;
	[tilespmem:v14+s24+$0x0] =	vst.idx.msk $0xffff, v12  }
0x1ca: {  	s0 =	sadd.s32 $0x40, s0;
	v12 =	vld [tilespmem:s1+$0x4C80]  }
0x1cb: {  	v13 =	vld [tilespmem:s1+$0x8D80];
	_ =	sdelay $0x1  }
0x1cc: {  	v14 =	vld [tilespmem:s1+$0x1000];
	_ =	sdelay $0x2  }
0x1cd: {  	v12 =	vmul.f32 v12, v13  }
.Ltmp28:
0x1ce: {  	_ = 	snop;
	(pc) =	sbr.rel .LBB2_46-.Ltmp28, $3  }
0x1cf: {  	v11 =	vsub.f32 v12, v11;
	_ =	sdelay $0x1  }
0x1d0: {  	v11 =	vmax.f32 v11, $0.0e+00  }
0x1d1: {  	s3 =	smov.u32 s4;
	s4 =	rddreg [dreg:$0x3];
	s6 =	simm.s32 $0x80;
	[tilespmem:v14+s24+$0x0] =	vst.idx.msk $0xffff, v11  }
.LBB2_47:
0x1d2: {  	_ =	sfence.sel $0x180000  }
0x1d3: {  	[bflag:$0x0] =	sbarrier.arrive $0xFFFF  }
0x1d4: {  	_ =	strace $0x90000047  }
0x1d5: {  	s0 =	stileid.u32;
	[bflag:$0x2] =	sbarrier.arrive $0xFFFF  }
0x1d6: {  	p0 =	sne.s32 s0, $0x0;
	s0 =	rddreg [dreg:$0x2]  }
0x1d7: {  	s0 =	sadd.s32 @!p0 $0x100000, s0  }
0x1d8: {  	[sflag:s0] =	ssyncadd.tile.s32 @!p0 $0x1;
	_ =	shalt  }
.Lfunc_end2:
_tile_overlayer_lowered:
.L_overlay_start_2:
0x1d9: {  	(tag) =	ssettag $0x2  }
0x1da: {  	s0 =	rddreg [dreg:$0x0];
	s2 =	stileid.u32  }
0x1db: {  	s1 =	rddreg [dreg:$0x1];
	p0 =	sne.s32 s2, $0x0  }
0x1dc: {  	s3 =	rddreg [dreg:$0x2];
	[bflag:$0x3] =	sbarrier.arrive $0xFFFF;
	s2 =	simm.s32 @!p0 $0x1C01  }
0x1dd: {  	[timem:s3], [sflag:s2] =	dma.local @!p0 [hbm:s0], s1  }
0x1de: {  	s0 =	simm.s32 @!p0 $0x1  }
0x1df: {  	_ =	swait.ge @!p0 [sflag:s0], s1  }
0x1e0: {  	s1 =	ssub.s32 @!p0 $0x0, s1;
	[sflag:s0] =	ssyncset.done @!p0 $0x0  }
0x1e1: {  	[sflag:s0] =	ssyncadd.s32 @!p0 s1  }
0x1e2: {  	[bflag:$0x3] =	sbarrier.arrive $0xFFFF  }
0x1e3: {  	_ =	shalt  }

</sc_bundles>
